<compile_context>
chip_gen: v7x
topology: tpu7x:2x2x1
jax: 0.10.2.dev20260603
libtpu: 0.0.44.dev20260713+nightly
codegen_flags: <defaults>
</compile_context>

<pallas_src>
import functools

import jax
import jax.numpy as jnp
from jax import lax
from jax.experimental import pallas as pl
from jax.experimental.pallas import tpu as pltpu
from jax.experimental.pallas import tpu_sc as plsc

B = 8
C = 3
H = W = 512
P = H * W
NC, NS, NLANE = 2, 16, 16
NW = NC * NS
WPB = NW // B
EPW = P // WPB
CH = 16384
NCHUNK = EPW // CH
K = 1024
EMAX = 2.0
CB = 2 * K
HWORDS = NLANE * CB
NROWS = NW * 2 * NLANE



NCOL = W // 128
VROWS = B * P // 128


def _pre_body(pred_ref, tgt_ref, out_ref):
    p0 = pred_ref[0, 0]
    p1 = pred_ref[0, 1]
    p2 = pred_ref[0, 2]
    logit = (p0 + p1 + p2) * jnp.float32(2.0 / 765.0) - 1.0
    t0 = tgt_ref[0, 0]
    t1 = tgt_ref[0, 1]
    t2 = tgt_ref[0, 2]
    is_pos = (t0 + t1 + t2) >= 383
    er = jnp.maximum(jnp.where(is_pos, 1.0 - logit, 1.0 + logit), 0.0)
    v = jnp.where(is_pos, er, -er)
    for j in range(NCOL):
        out_ref[j * H:(j + 1) * H, :] = v[:, j * 128:(j + 1) * 128]


_tc_pre = pl.pallas_call(
    _pre_body,
    grid=(B,),
    in_specs=[
        pl.BlockSpec((1, C, H, W), lambda b: (b, 0, 0, 0)),
        pl.BlockSpec((1, C, H, W), lambda b: (b, 0, 0, 0)),
    ],
    out_specs=pl.BlockSpec((H * NCOL, 128), lambda b: (b, 0)),
    out_shape=jax.ShapeDtypeStruct((VROWS, 128), jnp.float32),
)



def _hist_body(v_hbm, out_hbm, vbuf, cnt_ref, sum_ref, sem0, sem1):
    wid = lax.axis_index("s") * NC + lax.axis_index("c")
    base = wid * EPW
    sems = (sem0, sem1)

    zeros16 = jnp.zeros((NLANE,), jnp.float32)

    @plsc.parallel_loop(0, HWORDS // NLANE, 1, unroll=8)
    def zbody(i):
        cnt_ref[pl.ds(i * NLANE, NLANE)] = zeros16
        sum_ref[pl.ds(i * NLANE, NLANE)] = zeros16

    lane_base = lax.iota(jnp.int32, NLANE) * CB
    ones16 = jnp.full((NLANE,), 1.0, jnp.float32)

    def issue(j, s):
        return pltpu.async_copy(
            v_hbm.at[pl.ds(base + j * CH, CH)],
            vbuf.at[pl.ds(s * CH, CH)], sems[s])

    lane_base_k = lane_base + K

    def compute(s):
        @plsc.parallel_loop(0, CH // NLANE, 1, unroll=8)
        def body(i):
            off = s * CH + i * NLANE
            v = vbuf[pl.ds(off, NLANE)]
            uv = plsc.bitcast(v, jnp.int32)
            au = uv & jnp.int32(0x7FFFFFFF)
            er = plsc.bitcast(au, jnp.float32)
            x = jnp.minimum(er, jnp.float32(1.9999999)) + 2.0
            bits = plsc.bitcast(x, jnp.int32)
            bin_i = lax.shift_right_logical(bits, 13) & jnp.int32(K - 1)
            isneg = lax.shift_right_logical(uv, 31)
            idx = lane_base_k + bin_i - lax.shift_left(isneg, 10)
            plsc.addupdate_scatter(cnt_ref, [idx], ones16)
            plsc.addupdate_scatter(sum_ref, [idx], er)

    pending = {0: issue(0, 0), 1: None}
    for j in range(NCHUNK):
        s = j & 1
        if j + 1 < NCHUNK:
            pending[1 - s] = issue(j + 1, 1 - s)
        pending[s].wait()
        pending[s] = None
        compute(s)

    pltpu.sync_copy(cnt_ref, out_hbm.at[pl.ds(wid * 2 * HWORDS, HWORDS)])
    pltpu.sync_copy(sum_ref, out_hbm.at[pl.ds(wid * 2 * HWORDS + HWORDS, HWORDS)])


@functools.cache
def _sc_hist():
    return pl.kernel(
        _hist_body,
        out_type=jax.ShapeDtypeStruct((NW * 2 * HWORDS,), jnp.float32),
        mesh=plsc.VectorSubcoreMesh(core_axis_name="c", subcore_axis_name="s",
                                    num_cores=NC, num_subcores=NS),
        compiler_params=pltpu.CompilerParams(needs_layout_passes=False),
        scratch_types=[
            pltpu.VMEM((2 * CH,), jnp.float32),
            pltpu.VMEM((HWORDS,), jnp.float32),
            pltpu.VMEM((HWORDS,), jnp.float32),
            pltpu.SemaphoreType.DMA,
            pltpu.SemaphoreType.DMA,
        ],
    )



def _finish_body(hist_ref, out_ref):
    x = hist_ref[...]
    HROWS = NW * 2 * HWORDS // 128
    r = lax.broadcasted_iota(jnp.int32, (2 * B * 16, HROWS), 1)
    g = lax.broadcasted_iota(jnp.int32, (2 * B * 16, HROWS), 0)
    r_arr = (r // 256) % 2
    r_img = r // (WPB * 512)
    r_j = r % 16
    sel = ((r_arr == g // 128) & (r_img == (g // 16) % 8)
           & (r_j == g % 16)).astype(jnp.float32)
    R3 = jnp.dot(sel, x, preferred_element_type=jnp.float32)
    ca = lax.broadcasted_iota(jnp.int32, (128, 128), 0)
    cb = lax.broadcasted_iota(jnp.int32, (128, 128), 1)
    T128 = (ca > cb).astype(jnp.float32)
    ua = lax.broadcasted_iota(jnp.int32, (8, 8), 0)
    ub = lax.broadcasted_iota(jnp.int32, (8, 8), 1)
    U8 = (ub > ua).astype(jnp.float32)
    ja = lax.broadcasted_iota(jnp.int32, (8, 128), 0)
    jc = lax.broadcasted_iota(jnp.int32, (8, 128), 1)
    e_up = (ja * 128 + jc + 1).astype(jnp.float32) * jnp.float32(EMAX / K)

    def suffix(cnt):
        rowtot = jnp.sum(cnt, axis=1, keepdims=True)
        later_rows = jnp.dot(U8, rowtot,
                             preferred_element_type=jnp.float32)
        in_row = jnp.dot(cnt, T128, preferred_element_type=jnp.float32)
        return later_rows + in_row

    total = jnp.zeros((1, 1), jnp.float32)
    for b in range(B):
        Cn = R3[b * 16:b * 16 + 8]
        Cp = R3[b * 16 + 8:b * 16 + 16]
        Sn = R3[128 + b * 16:128 + b * 16 + 8]
        Sp = R3[128 + b * 16 + 8:128 + b * 16 + 16]
        An = suffix(Cn)
        Ap = suffix(Cp)
        G = jnp.sum(Cp, axis=1, keepdims=True).sum(axis=0, keepdims=True)
        pos = jnp.sum(Sp / jnp.maximum(G + An + 0.5 * Cn, 1.0),
                      axis=1, keepdims=True).sum(axis=0, keepdims=True)
        neg = jnp.sum(
            Sn * (G - Ap - 0.5 * Cp)
            / jnp.maximum((G + An) * (G + An + Cn), 1.0),
            axis=1, keepdims=True).sum(axis=0, keepdims=True)
        loss0 = jnp.max(jnp.where(Cn + Cp > 0, e_up, 0.0),
                        axis=1, keepdims=True).max(axis=0, keepdims=True)
        total = total + jnp.where(G > 0, pos + neg, loss0)
    out_ref[...] = total * jnp.float32(1.0 / B)


_tc_finish = pl.pallas_call(
    _finish_body,
    out_shape=jax.ShapeDtypeStruct((1, 1), jnp.float32),
)


def kernel(prediction, target):
    v = _tc_pre(prediction, target)
    hist = _sc_hist()(v.reshape(-1))
    out = _tc_finish(hist.reshape(NW * 2 * HWORDS // 128, 128))
    return out[0, 0]

# --- scband reference (transcript-rebuilt; emitter-appended) ---
"""Pipeline reference for scband-binary-lovasz-loss-47090021433740 (READ-ONLY COPY).

The authoritative reference and input builder live on the scoring server;
editing this copy changes nothing except your own understanding.
"""

import jax, jax.numpy as jnp
import numpy as np


def setup_inputs(seed: int = 0) -> dict:
    key = jax.random.key(seed)
    k1, k2 = jax.random.split(key)
    # prediction is expected in [0, 255] by the module; scale uniform rand accordingly
    prediction = jax.random.uniform(k1, (8, 3, 512, 512), dtype=jnp.float32) * 255.0
    target = jax.random.randint(k2, (8, 3, 512, 512), 0, 256, dtype=jnp.int32)
    return {"prediction": prediction, "target": target}


def _lovasz_hinge_flat(logits, labels):
    # logits: [P] float, labels: [P] in {0, 1}
    signs = 2.0 * labels - 1.0
    errors = 1.0 - logits * signs
    perm = jnp.argsort(-errors)  # descending sort of errors
    errors_sorted = errors[perm]
    labels_sorted = labels[perm]
    # lovasz_grad
    gts = labels_sorted.sum()
    intersection = gts - jnp.cumsum(labels_sorted)
    union = gts + jnp.cumsum(1.0 - labels_sorted)
    jaccard = 1.0 - intersection / union
    jaccard = jnp.concatenate([jaccard[:1], jaccard[1:] - jaccard[:-1]])
    return jnp.dot(jax.nn.relu(errors_sorted), jaccard)


def reference(prediction, target):
    pred = prediction.astype(jnp.float32) / 255.0
    tgt = target.astype(jnp.float32) / 255.0
    pred_gray = pred.mean(axis=1)  # [B, H, W]
    tgt_gray = tgt.mean(axis=1)    # [B, H, W]
    logits = pred_gray * 2.0 - 1.0
    labels = (tgt_gray > 0.5).astype(jnp.float32)
    B = logits.shape[0]
    logits_flat = logits.reshape(B, -1)
    labels_flat = labels.reshape(B, -1)
    losses = jax.vmap(_lovasz_hinge_flat)(logits_flat, labels_flat)
    return jnp.mean(losses)

if __name__ == "__main__":
    import jax
    _d = setup_inputs()
    print(jax.jit(kernel)(*tuple(_d.values())))

</pallas_src>

<mosaic_0001>
#map = affine_map<(d0, d1) -> (0)>
module attributes {stable_mosaic.version = 14 : i64} {
  func.func @_hist_body(%arg0: i32, %arg1: i32, %arg2: memref<2097152xf32, #tpu.memory_space<hbm>>, %arg3: memref<2097152xf32, #tpu.memory_space<hbm>>, %arg4: memref<32768xf32, #tpu.memory_space<vmem>>, %arg5: memref<32768xf32, #tpu.memory_space<vmem>>, %arg6: memref<32768xf32, #tpu.memory_space<vmem>>, %arg7: memref<!tpu.dma_semaphore, #tpu.memory_space<semaphore_mem>>, %arg8: memref<!tpu.dma_semaphore, #tpu.memory_space<semaphore_mem>>) attributes {dimension_semantics = [#tpu.dimension_semantics<core_parallel>, #tpu.dimension_semantics<subcore_parallel>], iteration_bounds = array<i64: 2, 16>, scalar_prefetch = 0 : i64, scratch_operands = 5 : i64, tpu.core_type = #tpu.core_type<sc_vector_subcore>, window_params = [{transform_indices = #map}, {transform_indices = #map}]} {
    %mul3A = arith.constant 2 : i32
    %mul3A_0 = arith.muli %arg1, %mul3A : i32
    %add3A = arith.addi %mul3A_0, %arg0 : i32
    %mul3A_1 = arith.constant 65536 : i32
    %mul3A_2 = arith.muli %add3A, %mul3A_1 : i32
    %broadcast_in_dim3A = arith.constant 0.000000e+00 : f32
    %broadcast_in_dim3A_3 = vector.broadcast %broadcast_in_dim3A : f32 to vector<16xf32>
    %parallel_loop3A = arith.constant 0 : i32
    %parallel_loop3A_4 = arith.constant 2048 : i32
    %parallel_loop3A_5 = arith.constant 1 : i32
    scf.for %parallel_loop3A_90 = %parallel_loop3A to %parallel_loop3A_4 step %parallel_loop3A_5  : i32 {
      %parallel_loop3A_91 = arith.constant 16 : i32
      %parallel_loop3A_92 = arith.muli %parallel_loop3A_90, %parallel_loop3A_91 : i32
      %parallel_loop3A_93 = arith.index_cast %parallel_loop3A_92 : i32 to index
      %parallel_loop3A_94 = tpu.vector_load %arg5[%parallel_loop3A_93] {strides = array<i32>} : memref<32768xf32, #tpu.memory_space<vmem>>, vector<16xf32>,
      tpu.vector_store %arg5[%parallel_loop3A_93], %broadcast_in_dim3A_3 {strides = array<i32>} : memref<32768xf32, #tpu.memory_space<vmem>>, vector<16xf32>,
      %parallel_loop3A_95 = arith.constant 16 : i32
      %parallel_loop3A_96 = arith.muli %parallel_loop3A_90, %parallel_loop3A_95 : i32
      %parallel_loop3A_97 = arith.index_cast %parallel_loop3A_96 : i32 to index
      %parallel_loop3A_98 = tpu.vector_load %arg6[%parallel_loop3A_97] {strides = array<i32>} : memref<32768xf32, #tpu.memory_space<vmem>>, vector<16xf32>,
      tpu.vector_store %arg6[%parallel_loop3A_97], %broadcast_in_dim3A_3 {strides = array<i32>} : memref<32768xf32, #tpu.memory_space<vmem>>, vector<16xf32>,
    } {sc.loop_unroll_factor = 8 : i64, sc.parallel_access}
    %iota3A = tpu.iota {dimensions = array<i32: 0>} : vector<16xi32>
    %mul3A_6 = arith.constant 2048 : i32
    %mul3A_7 = vector.broadcast %mul3A_6 : i32 to vector<16xi32>
    %mul3A_8 = arith.muli %iota3A, %mul3A_7 : vector<16xi32>
    %broadcast_in_dim3A_9 = arith.constant 1.000000e+00 : f32
    %broadcast_in_dim3A_10 = vector.broadcast %broadcast_in_dim3A_9 : f32 to vector<16xf32>
    %add3A_11 = arith.constant 1024 : i32
    %add3A_12 = vector.broadcast %add3A_11 : i32 to vector<16xi32>
    %add3A_13 = arith.addi %mul3A_8, %add3A_12 : vector<16xi32>
    %add3A_14 = arith.constant 0 : i32
    %add3A_15 = arith.addi %mul3A_2, %add3A_14 : i32
    %dma_start3A = arith.constant 0 : i32
    %dma_start3A_16 = tpu.memref_slice %arg4[%dma_start3A] : memref<32768xf32, #tpu.memory_space<vmem>> -> memref<16384xf32, #tpu.memory_space<vmem>>
    %dma_start3A_17 = tpu.memref_slice %arg2[%add3A_15] : memref<2097152xf32, #tpu.memory_space<hbm>> -> memref<16384xf32, #tpu.memory_space<hbm>>
    %dma_start3A_18 = arith.constant 0 : i32
    %dma_start3A_19 = tpu.memref_slice %arg4[%dma_start3A_18] : memref<32768xf32, #tpu.memory_space<vmem>> -> memref<16384xf32, #tpu.memory_space<vmem>>
    %dma_start3A_20 = tpu.memref_slice %arg2[%add3A_15] : memref<2097152xf32, #tpu.memory_space<hbm>> -> memref<16384xf32, #tpu.memory_space<hbm>>
    tpu.enqueue_dma source(%dma_start3A_20 : memref<16384xf32, #tpu.memory_space<hbm>>) target(%dma_start3A_19 : memref<16384xf32, #tpu.memory_space<vmem>>) target_semaphore(%arg7 : memref<!tpu.dma_semaphore, #tpu.memory_space<semaphore_mem>>)
    %add3A_21 = arith.constant 16384 : i32
    %add3A_22 = arith.addi %mul3A_2, %add3A_21 : i32
    %dma_start3A_23 = arith.constant 16384 : i32
    %dma_start3A_24 = tpu.memref_slice %arg4[%dma_start3A_23] : memref<32768xf32, #tpu.memory_space<vmem>> -> memref<16384xf32, #tpu.memory_space<vmem>>
    %dma_start3A_25 = tpu.memref_slice %arg2[%add3A_22] : memref<2097152xf32, #tpu.memory_space<hbm>> -> memref<16384xf32, #tpu.memory_space<hbm>>
    %dma_start3A_26 = arith.constant 16384 : i32
    %dma_start3A_27 = tpu.memref_slice %arg4[%dma_start3A_26] : memref<32768xf32, #tpu.memory_space<vmem>> -> memref<16384xf32, #tpu.memory_space<vmem>>
    %dma_start3A_28 = tpu.memref_slice %arg2[%add3A_22] : memref<2097152xf32, #tpu.memory_space<hbm>> -> memref<16384xf32, #tpu.memory_space<hbm>>
    tpu.enqueue_dma source(%dma_start3A_28 : memref<16384xf32, #tpu.memory_space<hbm>>) target(%dma_start3A_27 : memref<16384xf32, #tpu.memory_space<vmem>>) target_semaphore(%arg8 : memref<!tpu.dma_semaphore, #tpu.memory_space<semaphore_mem>>)
    %dma_wait3A = arith.constant 0 : i32
    %dma_wait3A_29 = tpu.memref_slice %arg4[%dma_wait3A] : memref<32768xf32, #tpu.memory_space<vmem>> -> memref<16384xf32, #tpu.memory_space<vmem>>
    %dma_wait3A_30 = tpu.memref_slice %arg2[%add3A_15] : memref<2097152xf32, #tpu.memory_space<hbm>> -> memref<16384xf32, #tpu.memory_space<hbm>>
    %dma_wait3A_31 = arith.constant 0 : i32
    %dma_wait3A_32 = tpu.memref_slice %arg4[%dma_wait3A_31] : memref<32768xf32, #tpu.memory_space<vmem>> -> memref<16384xf32, #tpu.memory_space<vmem>>
    %dma_wait3A_33 = tpu.memref_slice %arg2[%add3A_15] : memref<2097152xf32, #tpu.memory_space<hbm>> -> memref<16384xf32, #tpu.memory_space<hbm>>
    tpu.wait_dma2 semaphore(%arg7 : memref<!tpu.dma_semaphore, #tpu.memory_space<semaphore_mem>>) src(%dma_wait3A_33 : memref<16384xf32, #tpu.memory_space<hbm>>) dst(%dma_wait3A_32 : memref<16384xf32, #tpu.memory_space<vmem>>)
    %parallel_loop3A_34 = arith.constant 0 : i32
    %parallel_loop3A_35 = arith.constant 1024 : i32
    %parallel_loop3A_36 = arith.constant 1 : i32
    scf.for %parallel_loop3A_90 = %parallel_loop3A_34 to %parallel_loop3A_35 step %parallel_loop3A_36  : i32 {
      %parallel_loop3A_91 = arith.constant 16 : i32
      %parallel_loop3A_92 = arith.muli %parallel_loop3A_90, %parallel_loop3A_91 : i32
      %parallel_loop3A_93 = arith.constant 0 : i32
      %parallel_loop3A_94 = arith.addi %parallel_loop3A_93, %parallel_loop3A_92 : i32
      %parallel_loop3A_95 = arith.index_cast %parallel_loop3A_94 : i32 to index
      %parallel_loop3A_96 = tpu.vector_load %arg4[%parallel_loop3A_95] {strides = array<i32>} : memref<32768xf32, #tpu.memory_space<vmem>>, vector<16xf32>,
      %parallel_loop3A_97 = vector.bitcast %parallel_loop3A_96 : vector<16xf32> to vector<16xi32>
      %parallel_loop3A_98 = arith.constant 2147483647 : i32
      %parallel_loop3A_99 = vector.broadcast %parallel_loop3A_98 : i32 to vector<16xi32>
      %parallel_loop3A_100 = arith.andi %parallel_loop3A_97, %parallel_loop3A_99 : vector<16xi32>
      %parallel_loop3A_101 = vector.bitcast %parallel_loop3A_100 : vector<16xi32> to vector<16xf32>
      %parallel_loop3A_102 = arith.constant 1.99999988 : f32
      %parallel_loop3A_103 = vector.broadcast %parallel_loop3A_102 : f32 to vector<16xf32>
      %parallel_loop3A_104 = arith.minimumf %parallel_loop3A_101, %parallel_loop3A_103 : vector<16xf32>
      %parallel_loop3A_105 = arith.constant 2.000000e+00 : f32
      %parallel_loop3A_106 = vector.broadcast %parallel_loop3A_105 : f32 to vector<16xf32>
      %parallel_loop3A_107 = arith.addf %parallel_loop3A_104, %parallel_loop3A_106 : vector<16xf32>
      %parallel_loop3A_108 = vector.bitcast %parallel_loop3A_107 : vector<16xf32> to vector<16xi32>
      %parallel_loop3A_109 = arith.constant 13 : i32
      %parallel_loop3A_110 = vector.broadcast %parallel_loop3A_109 : i32 to vector<16xi32>
      %parallel_loop3A_111 = arith.shrui %parallel_loop3A_108, %parallel_loop3A_110 : vector<16xi32>
      %parallel_loop3A_112 = arith.constant 1023 : i32
      %parallel_loop3A_113 = vector.broadcast %parallel_loop3A_112 : i32 to vector<16xi32>
      %parallel_loop3A_114 = arith.andi %parallel_loop3A_111, %parallel_loop3A_113 : vector<16xi32>
      %parallel_loop3A_115 = arith.constant 31 : i32
      %parallel_loop3A_116 = vector.broadcast %parallel_loop3A_115 : i32 to vector<16xi32>
      %parallel_loop3A_117 = arith.shrui %parallel_loop3A_97, %parallel_loop3A_116 : vector<16xi32>
      %parallel_loop3A_118 = arith.addi %add3A_13, %parallel_loop3A_114 : vector<16xi32>
      %parallel_loop3A_119 = arith.constant 10 : i32
      %parallel_loop3A_120 = vector.broadcast %parallel_loop3A_119 : i32 to vector<16xi32>
      %parallel_loop3A_121 = arith.shli %parallel_loop3A_117, %parallel_loop3A_120 : vector<16xi32>
      %parallel_loop3A_122 = arith.subi %parallel_loop3A_118, %parallel_loop3A_121 : vector<16xi32>
      tpu.vector_store_idx %arg5[%parallel_loop3A_122], %broadcast_in_dim3A_10 {add = true} : memref<32768xf32, #tpu.memory_space<vmem>>[vector<16xi32>], vector<16xf32>,
      tpu.vector_store_idx %arg6[%parallel_loop3A_122], %parallel_loop3A_101 {add = true} : memref<32768xf32, #tpu.memory_space<vmem>>[vector<16xi32>], vector<16xf32>,
    } {sc.loop_unroll_factor = 8 : i64, sc.parallel_access}
    %add3A_37 = arith.constant 32768 : i32
    %add3A_38 = arith.addi %mul3A_2, %add3A_37 : i32
    %dma_start3A_39 = arith.constant 0 : i32
    %dma_start3A_40 = tpu.memref_slice %arg4[%dma_start3A_39] : memref<32768xf32, #tpu.memory_space<vmem>> -> memref<16384xf32, #tpu.memory_space<vmem>>
    %dma_start3A_41 = tpu.memref_slice %arg2[%add3A_38] : memref<2097152xf32, #tpu.memory_space<hbm>> -> memref<16384xf32, #tpu.memory_space<hbm>>
    %dma_start3A_42 = arith.constant 0 : i32
    %dma_start3A_43 = tpu.memref_slice %arg4[%dma_start3A_42] : memref<32768xf32, #tpu.memory_space<vmem>> -> memref<16384xf32, #tpu.memory_space<vmem>>
    %dma_start3A_44 = tpu.memref_slice %arg2[%add3A_38] : memref<2097152xf32, #tpu.memory_space<hbm>> -> memref<16384xf32, #tpu.memory_space<hbm>>
    tpu.enqueue_dma source(%dma_start3A_44 : memref<16384xf32, #tpu.memory_space<hbm>>) target(%dma_start3A_43 : memref<16384xf32, #tpu.memory_space<vmem>>) target_semaphore(%arg7 : memref<!tpu.dma_semaphore, #tpu.memory_space<semaphore_mem>>)
    %dma_wait3A_45 = arith.constant 16384 : i32
    %dma_wait3A_46 = tpu.memref_slice %arg4[%dma_wait3A_45] : memref<32768xf32, #tpu.memory_space<vmem>> -> memref<16384xf32, #tpu.memory_space<vmem>>
    %dma_wait3A_47 = tpu.memref_slice %arg2[%add3A_22] : memref<2097152xf32, #tpu.memory_space<hbm>> -> memref<16384xf32, #tpu.memory_space<hbm>>
    %dma_wait3A_48 = arith.constant 16384 : i32
    %dma_wait3A_49 = tpu.memref_slice %arg4[%dma_wait3A_48] : memref<32768xf32, #tpu.memory_space<vmem>> -> memref<16384xf32, #tpu.memory_space<vmem>>
    %dma_wait3A_50 = tpu.memref_slice %arg2[%add3A_22] : memref<2097152xf32, #tpu.memory_space<hbm>> -> memref<16384xf32, #tpu.memory_space<hbm>>
    tpu.wait_dma2 semaphore(%arg8 : memref<!tpu.dma_semaphore, #tpu.memory_space<semaphore_mem>>) src(%dma_wait3A_50 : memref<16384xf32, #tpu.memory_space<hbm>>) dst(%dma_wait3A_49 : memref<16384xf32, #tpu.memory_space<vmem>>)
    %parallel_loop3A_51 = arith.constant 0 : i32
    %parallel_loop3A_52 = arith.constant 1024 : i32
    %parallel_loop3A_53 = arith.constant 1 : i32
    scf.for %parallel_loop3A_90 = %parallel_loop3A_51 to %parallel_loop3A_52 step %parallel_loop3A_53  : i32 {
      %parallel_loop3A_91 = arith.constant 16 : i32
      %parallel_loop3A_92 = arith.muli %parallel_loop3A_90, %parallel_loop3A_91 : i32
      %parallel_loop3A_93 = arith.constant 16384 : i32
      %parallel_loop3A_94 = arith.addi %parallel_loop3A_93, %parallel_loop3A_92 : i32
      %parallel_loop3A_95 = arith.index_cast %parallel_loop3A_94 : i32 to index
      %parallel_loop3A_96 = tpu.vector_load %arg4[%parallel_loop3A_95] {strides = array<i32>} : memref<32768xf32, #tpu.memory_space<vmem>>, vector<16xf32>,
      %parallel_loop3A_97 = vector.bitcast %parallel_loop3A_96 : vector<16xf32> to vector<16xi32>
      %parallel_loop3A_98 = arith.constant 2147483647 : i32
      %parallel_loop3A_99 = vector.broadcast %parallel_loop3A_98 : i32 to vector<16xi32>
      %parallel_loop3A_100 = arith.andi %parallel_loop3A_97, %parallel_loop3A_99 : vector<16xi32>
      %parallel_loop3A_101 = vector.bitcast %parallel_loop3A_100 : vector<16xi32> to vector<16xf32>
      %parallel_loop3A_102 = arith.constant 1.99999988 : f32
      %parallel_loop3A_103 = vector.broadcast %parallel_loop3A_102 : f32 to vector<16xf32>
      %parallel_loop3A_104 = arith.minimumf %parallel_loop3A_101, %parallel_loop3A_103 : vector<16xf32>
      %parallel_loop3A_105 = arith.constant 2.000000e+00 : f32
      %parallel_loop3A_106 = vector.broadcast %parallel_loop3A_105 : f32 to vector<16xf32>
      %parallel_loop3A_107 = arith.addf %parallel_loop3A_104, %parallel_loop3A_106 : vector<16xf32>
      %parallel_loop3A_108 = vector.bitcast %parallel_loop3A_107 : vector<16xf32> to vector<16xi32>
      %parallel_loop3A_109 = arith.constant 13 : i32
      %parallel_loop3A_110 = vector.broadcast %parallel_loop3A_109 : i32 to vector<16xi32>
      %parallel_loop3A_111 = arith.shrui %parallel_loop3A_108, %parallel_loop3A_110 : vector<16xi32>
      %parallel_loop3A_112 = arith.constant 1023 : i32
      %parallel_loop3A_113 = vector.broadcast %parallel_loop3A_112 : i32 to vector<16xi32>
      %parallel_loop3A_114 = arith.andi %parallel_loop3A_111, %parallel_loop3A_113 : vector<16xi32>
      %parallel_loop3A_115 = arith.constant 31 : i32
      %parallel_loop3A_116 = vector.broadcast %parallel_loop3A_115 : i32 to vector<16xi32>
      %parallel_loop3A_117 = arith.shrui %parallel_loop3A_97, %parallel_loop3A_116 : vector<16xi32>
      %parallel_loop3A_118 = arith.addi %add3A_13, %parallel_loop3A_114 : vector<16xi32>
      %parallel_loop3A_119 = arith.constant 10 : i32
      %parallel_loop3A_120 = vector.broadcast %parallel_loop3A_119 : i32 to vector<16xi32>
      %parallel_loop3A_121 = arith.shli %parallel_loop3A_117, %parallel_loop3A_120 : vector<16xi32>
      %parallel_loop3A_122 = arith.subi %parallel_loop3A_118, %parallel_loop3A_121 : vector<16xi32>
      tpu.vector_store_idx %arg5[%parallel_loop3A_122], %broadcast_in_dim3A_10 {add = true} : memref<32768xf32, #tpu.memory_space<vmem>>[vector<16xi32>], vector<16xf32>,
      tpu.vector_store_idx %arg6[%parallel_loop3A_122], %parallel_loop3A_101 {add = true} : memref<32768xf32, #tpu.memory_space<vmem>>[vector<16xi32>], vector<16xf32>,
    } {sc.loop_unroll_factor = 8 : i64, sc.parallel_access}
    %add3A_54 = arith.constant 49152 : i32
    %add3A_55 = arith.addi %mul3A_2, %add3A_54 : i32
    %dma_start3A_56 = arith.constant 16384 : i32
    %dma_start3A_57 = tpu.memref_slice %arg4[%dma_start3A_56] : memref<32768xf32, #tpu.memory_space<vmem>> -> memref<16384xf32, #tpu.memory_space<vmem>>
    %dma_start3A_58 = tpu.memref_slice %arg2[%add3A_55] : memref<2097152xf32, #tpu.memory_space<hbm>> -> memref<16384xf32, #tpu.memory_space<hbm>>
    %dma_start3A_59 = arith.constant 16384 : i32
    %dma_start3A_60 = tpu.memref_slice %arg4[%dma_start3A_59] : memref<32768xf32, #tpu.memory_space<vmem>> -> memref<16384xf32, #tpu.memory_space<vmem>>
    %dma_start3A_61 = tpu.memref_slice %arg2[%add3A_55] : memref<2097152xf32, #tpu.memory_space<hbm>> -> memref<16384xf32, #tpu.memory_space<hbm>>
    tpu.enqueue_dma source(%dma_start3A_61 : memref<16384xf32, #tpu.memory_space<hbm>>) target(%dma_start3A_60 : memref<16384xf32, #tpu.memory_space<vmem>>) target_semaphore(%arg8 : memref<!tpu.dma_semaphore, #tpu.memory_space<semaphore_mem>>)
    %dma_wait3A_62 = arith.constant 0 : i32
    %dma_wait3A_63 = tpu.memref_slice %arg4[%dma_wait3A_62] : memref<32768xf32, #tpu.memory_space<vmem>> -> memref<16384xf32, #tpu.memory_space<vmem>>
    %dma_wait3A_64 = tpu.memref_slice %arg2[%add3A_38] : memref<2097152xf32, #tpu.memory_space<hbm>> -> memref<16384xf32, #tpu.memory_space<hbm>>
    %dma_wait3A_65 = arith.constant 0 : i32
    %dma_wait3A_66 = tpu.memref_slice %arg4[%dma_wait3A_65] : memref<32768xf32, #tpu.memory_space<vmem>> -> memref<16384xf32, #tpu.memory_space<vmem>>
    %dma_wait3A_67 = tpu.memref_slice %arg2[%add3A_38] : memref<2097152xf32, #tpu.memory_space<hbm>> -> memref<16384xf32, #tpu.memory_space<hbm>>
    tpu.wait_dma2 semaphore(%arg7 : memref<!tpu.dma_semaphore, #tpu.memory_space<semaphore_mem>>) src(%dma_wait3A_67 : memref<16384xf32, #tpu.memory_space<hbm>>) dst(%dma_wait3A_66 : memref<16384xf32, #tpu.memory_space<vmem>>)
    %parallel_loop3A_68 = arith.constant 0 : i32
    %parallel_loop3A_69 = arith.constant 1024 : i32
    %parallel_loop3A_70 = arith.constant 1 : i32
    scf.for %parallel_loop3A_90 = %parallel_loop3A_68 to %parallel_loop3A_69 step %parallel_loop3A_70  : i32 {
      %parallel_loop3A_91 = arith.constant 16 : i32
      %parallel_loop3A_92 = arith.muli %parallel_loop3A_90, %parallel_loop3A_91 : i32
      %parallel_loop3A_93 = arith.constant 0 : i32
      %parallel_loop3A_94 = arith.addi %parallel_loop3A_93, %parallel_loop3A_92 : i32
      %parallel_loop3A_95 = arith.index_cast %parallel_loop3A_94 : i32 to index
      %parallel_loop3A_96 = tpu.vector_load %arg4[%parallel_loop3A_95] {strides = array<i32>} : memref<32768xf32, #tpu.memory_space<vmem>>, vector<16xf32>,
      %parallel_loop3A_97 = vector.bitcast %parallel_loop3A_96 : vector<16xf32> to vector<16xi32>
      %parallel_loop3A_98 = arith.constant 2147483647 : i32
      %parallel_loop3A_99 = vector.broadcast %parallel_loop3A_98 : i32 to vector<16xi32>
      %parallel_loop3A_100 = arith.andi %parallel_loop3A_97, %parallel_loop3A_99 : vector<16xi32>
      %parallel_loop3A_101 = vector.bitcast %parallel_loop3A_100 : vector<16xi32> to vector<16xf32>
      %parallel_loop3A_102 = arith.constant 1.99999988 : f32
      %parallel_loop3A_103 = vector.broadcast %parallel_loop3A_102 : f32 to vector<16xf32>
      %parallel_loop3A_104 = arith.minimumf %parallel_loop3A_101, %parallel_loop3A_103 : vector<16xf32>
      %parallel_loop3A_105 = arith.constant 2.000000e+00 : f32
      %parallel_loop3A_106 = vector.broadcast %parallel_loop3A_105 : f32 to vector<16xf32>
      %parallel_loop3A_107 = arith.addf %parallel_loop3A_104, %parallel_loop3A_106 : vector<16xf32>
      %parallel_loop3A_108 = vector.bitcast %parallel_loop3A_107 : vector<16xf32> to vector<16xi32>
      %parallel_loop3A_109 = arith.constant 13 : i32
      %parallel_loop3A_110 = vector.broadcast %parallel_loop3A_109 : i32 to vector<16xi32>
      %parallel_loop3A_111 = arith.shrui %parallel_loop3A_108, %parallel_loop3A_110 : vector<16xi32>
      %parallel_loop3A_112 = arith.constant 1023 : i32
      %parallel_loop3A_113 = vector.broadcast %parallel_loop3A_112 : i32 to vector<16xi32>
      %parallel_loop3A_114 = arith.andi %parallel_loop3A_111, %parallel_loop3A_113 : vector<16xi32>
      %parallel_loop3A_115 = arith.constant 31 : i32
      %parallel_loop3A_116 = vector.broadcast %parallel_loop3A_115 : i32 to vector<16xi32>
      %parallel_loop3A_117 = arith.shrui %parallel_loop3A_97, %parallel_loop3A_116 : vector<16xi32>
      %parallel_loop3A_118 = arith.addi %add3A_13, %parallel_loop3A_114 : vector<16xi32>
      %parallel_loop3A_119 = arith.constant 10 : i32
      %parallel_loop3A_120 = vector.broadcast %parallel_loop3A_119 : i32 to vector<16xi32>
      %parallel_loop3A_121 = arith.shli %parallel_loop3A_117, %parallel_loop3A_120 : vector<16xi32>
      %parallel_loop3A_122 = arith.subi %parallel_loop3A_118, %parallel_loop3A_121 : vector<16xi32>
      tpu.vector_store_idx %arg5[%parallel_loop3A_122], %broadcast_in_dim3A_10 {add = true} : memref<32768xf32, #tpu.memory_space<vmem>>[vector<16xi32>], vector<16xf32>,
      tpu.vector_store_idx %arg6[%parallel_loop3A_122], %parallel_loop3A_101 {add = true} : memref<32768xf32, #tpu.memory_space<vmem>>[vector<16xi32>], vector<16xf32>,
    } {sc.loop_unroll_factor = 8 : i64, sc.parallel_access}
    %dma_wait3A_71 = arith.constant 16384 : i32
    %dma_wait3A_72 = tpu.memref_slice %arg4[%dma_wait3A_71] : memref<32768xf32, #tpu.memory_space<vmem>> -> memref<16384xf32, #tpu.memory_space<vmem>>
    %dma_wait3A_73 = tpu.memref_slice %arg2[%add3A_55] : memref<2097152xf32, #tpu.memory_space<hbm>> -> memref<16384xf32, #tpu.memory_space<hbm>>
    %dma_wait3A_74 = arith.constant 16384 : i32
    %dma_wait3A_75 = tpu.memref_slice %arg4[%dma_wait3A_74] : memref<32768xf32, #tpu.memory_space<vmem>> -> memref<16384xf32, #tpu.memory_space<vmem>>
    %dma_wait3A_76 = tpu.memref_slice %arg2[%add3A_55] : memref<2097152xf32, #tpu.memory_space<hbm>> -> memref<16384xf32, #tpu.memory_space<hbm>>
    tpu.wait_dma2 semaphore(%arg8 : memref<!tpu.dma_semaphore, #tpu.memory_space<semaphore_mem>>) src(%dma_wait3A_76 : memref<16384xf32, #tpu.memory_space<hbm>>) dst(%dma_wait3A_75 : memref<16384xf32, #tpu.memory_space<vmem>>)
    %parallel_loop3A_77 = arith.constant 0 : i32
    %parallel_loop3A_78 = arith.constant 1024 : i32
    %parallel_loop3A_79 = arith.constant 1 : i32
    scf.for %parallel_loop3A_90 = %parallel_loop3A_77 to %parallel_loop3A_78 step %parallel_loop3A_79  : i32 {
      %parallel_loop3A_91 = arith.constant 16 : i32
      %parallel_loop3A_92 = arith.muli %parallel_loop3A_90, %parallel_loop3A_91 : i32
      %parallel_loop3A_93 = arith.constant 16384 : i32
      %parallel_loop3A_94 = arith.addi %parallel_loop3A_93, %parallel_loop3A_92 : i32
      %parallel_loop3A_95 = arith.index_cast %parallel_loop3A_94 : i32 to index
      %parallel_loop3A_96 = tpu.vector_load %arg4[%parallel_loop3A_95] {strides = array<i32>} : memref<32768xf32, #tpu.memory_space<vmem>>, vector<16xf32>,
      %parallel_loop3A_97 = vector.bitcast %parallel_loop3A_96 : vector<16xf32> to vector<16xi32>
      %parallel_loop3A_98 = arith.constant 2147483647 : i32
      %parallel_loop3A_99 = vector.broadcast %parallel_loop3A_98 : i32 to vector<16xi32>
      %parallel_loop3A_100 = arith.andi %parallel_loop3A_97, %parallel_loop3A_99 : vector<16xi32>
      %parallel_loop3A_101 = vector.bitcast %parallel_loop3A_100 : vector<16xi32> to vector<16xf32>
      %parallel_loop3A_102 = arith.constant 1.99999988 : f32
      %parallel_loop3A_103 = vector.broadcast %parallel_loop3A_102 : f32 to vector<16xf32>
      %parallel_loop3A_104 = arith.minimumf %parallel_loop3A_101, %parallel_loop3A_103 : vector<16xf32>
      %parallel_loop3A_105 = arith.constant 2.000000e+00 : f32
      %parallel_loop3A_106 = vector.broadcast %parallel_loop3A_105 : f32 to vector<16xf32>
      %parallel_loop3A_107 = arith.addf %parallel_loop3A_104, %parallel_loop3A_106 : vector<16xf32>
      %parallel_loop3A_108 = vector.bitcast %parallel_loop3A_107 : vector<16xf32> to vector<16xi32>
      %parallel_loop3A_109 = arith.constant 13 : i32
      %parallel_loop3A_110 = vector.broadcast %parallel_loop3A_109 : i32 to vector<16xi32>
      %parallel_loop3A_111 = arith.shrui %parallel_loop3A_108, %parallel_loop3A_110 : vector<16xi32>
      %parallel_loop3A_112 = arith.constant 1023 : i32
      %parallel_loop3A_113 = vector.broadcast %parallel_loop3A_112 : i32 to vector<16xi32>
      %parallel_loop3A_114 = arith.andi %parallel_loop3A_111, %parallel_loop3A_113 : vector<16xi32>
      %parallel_loop3A_115 = arith.constant 31 : i32
      %parallel_loop3A_116 = vector.broadcast %parallel_loop3A_115 : i32 to vector<16xi32>
      %parallel_loop3A_117 = arith.shrui %parallel_loop3A_97, %parallel_loop3A_116 : vector<16xi32>
      %parallel_loop3A_118 = arith.addi %add3A_13, %parallel_loop3A_114 : vector<16xi32>
      %parallel_loop3A_119 = arith.constant 10 : i32
      %parallel_loop3A_120 = vector.broadcast %parallel_loop3A_119 : i32 to vector<16xi32>
      %parallel_loop3A_121 = arith.shli %parallel_loop3A_117, %parallel_loop3A_120 : vector<16xi32>
      %parallel_loop3A_122 = arith.subi %parallel_loop3A_118, %parallel_loop3A_121 : vector<16xi32>
      tpu.vector_store_idx %arg5[%parallel_loop3A_122], %broadcast_in_dim3A_10 {add = true} : memref<32768xf32, #tpu.memory_space<vmem>>[vector<16xi32>], vector<16xf32>,
      tpu.vector_store_idx %arg6[%parallel_loop3A_122], %parallel_loop3A_101 {add = true} : memref<32768xf32, #tpu.memory_space<vmem>>[vector<16xi32>], vector<16xf32>,
    } {sc.loop_unroll_factor = 8 : i64, sc.parallel_access}
    %mul3A_80 = arith.constant 2 : i32
    %mul3A_81 = arith.muli %add3A, %mul3A_80 : i32
    %mul3A_82 = arith.constant 32768 : i32
    %mul3A_83 = arith.muli %mul3A_81, %mul3A_82 : i32
    "tpu.region"() ({
      %run_scoped3A = tpu.sem_alloc : memref<!tpu.dma_semaphore, #tpu.memory_space<semaphore_mem>>
      %dma_start3A_90 = tpu.memref_slice %arg3[%mul3A_83] : memref<2097152xf32, #tpu.memory_space<hbm>> -> memref<32768xf32, #tpu.memory_space<hbm>>
      %dma_start3A_91 = tpu.memref_slice %arg3[%mul3A_83] : memref<2097152xf32, #tpu.memory_space<hbm>> -> memref<32768xf32, #tpu.memory_space<hbm>>
      tpu.enqueue_dma source(%arg5 : memref<32768xf32, #tpu.memory_space<vmem>>) target(%dma_start3A_91 : memref<32768xf32, #tpu.memory_space<hbm>>) target_semaphore(%run_scoped3A : memref<!tpu.dma_semaphore, #tpu.memory_space<semaphore_mem>>)
      %dma_wait3A_92 = tpu.memref_slice %arg3[%mul3A_83] : memref<2097152xf32, #tpu.memory_space<hbm>> -> memref<32768xf32, #tpu.memory_space<hbm>>
      %dma_wait3A_93 = tpu.memref_slice %arg3[%mul3A_83] : memref<2097152xf32, #tpu.memory_space<hbm>> -> memref<32768xf32, #tpu.memory_space<hbm>>
      tpu.wait_dma2 semaphore(%run_scoped3A : memref<!tpu.dma_semaphore, #tpu.memory_space<semaphore_mem>>) src(%arg5 : memref<32768xf32, #tpu.memory_space<vmem>>) dst(%dma_wait3A_93 : memref<32768xf32, #tpu.memory_space<hbm>>)
      tpu.yield
    }) : () -> ()
    %mul3A_84 = arith.constant 2 : i32
    %mul3A_85 = arith.muli %add3A, %mul3A_84 : i32
    %mul3A_86 = arith.constant 32768 : i32
    %mul3A_87 = arith.muli %mul3A_85, %mul3A_86 : i32
    %add3A_88 = arith.constant 32768 : i32
    %add3A_89 = arith.addi %mul3A_87, %add3A_88 : i32
    "tpu.region"() ({
      %run_scoped3A = tpu.sem_alloc : memref<!tpu.dma_semaphore, #tpu.memory_space<semaphore_mem>>
      %dma_start3A_90 = tpu.memref_slice %arg3[%add3A_89] : memref<2097152xf32, #tpu.memory_space<hbm>> -> memref<32768xf32, #tpu.memory_space<hbm>>
      %dma_start3A_91 = tpu.memref_slice %arg3[%add3A_89] : memref<2097152xf32, #tpu.memory_space<hbm>> -> memref<32768xf32, #tpu.memory_space<hbm>>
      tpu.enqueue_dma source(%arg6 : memref<32768xf32, #tpu.memory_space<vmem>>) target(%dma_start3A_91 : memref<32768xf32, #tpu.memory_space<hbm>>) target_semaphore(%run_scoped3A : memref<!tpu.dma_semaphore, #tpu.memory_space<semaphore_mem>>)
      %dma_wait3A_92 = tpu.memref_slice %arg3[%add3A_89] : memref<2097152xf32, #tpu.memory_space<hbm>> -> memref<32768xf32, #tpu.memory_space<hbm>>
      %dma_wait3A_93 = tpu.memref_slice %arg3[%add3A_89] : memref<2097152xf32, #tpu.memory_space<hbm>> -> memref<32768xf32, #tpu.memory_space<hbm>>
      tpu.wait_dma2 semaphore(%run_scoped3A : memref<!tpu.dma_semaphore, #tpu.memory_space<semaphore_mem>>) src(%arg6 : memref<32768xf32, #tpu.memory_space<vmem>>) dst(%dma_wait3A_93 : memref<32768xf32, #tpu.memory_space<hbm>>)
      tpu.yield
    }) : () -> ()
    return
  }
}

module attributes {stable_mosaic.version = 14 : i64} {
  func.func @_pre_body(%arg0: i32, %arg1: memref<1x3x512x512xf32, #tpu.memory_space<vmem>>, %arg2: memref<1x3x512x512xi32, #tpu.memory_space<vmem>>, %arg3: memref<2048x128xf32, #tpu.memory_space<vmem>>) attributes {dimension_semantics = [#tpu.dimension_semantics<arbitrary>], iteration_bounds = array<i64: 8>, scalar_prefetch = 0 : i64, scratch_operands = 0 : i64, tpu.core_type = #tpu.core_type<tc>, window_params = [{transform_indices = @transform_0, window_bounds = array<i64: 1, 3, 512, 512>}, {transform_indices = @transform_1, window_bounds = array<i64: 1, 3, 512, 512>}, {transform_indices = @transform_2, window_bounds = array<i64: 2048, 128>}]} {
    %get3A = arith.constant 0 : index
    %get3A_0 = arith.constant 0 : index
    %get3A_1 = arith.constant 0 : index
    %get3A_2 = arith.constant 0 : index
    %get3A_3 = vector.load %arg1[%get3A, %get3A_0, %get3A_1, %get3A_2] : memref<1x3x512x512xf32, #tpu.memory_space<vmem>>, vector<1x1x512x512xf32>
    %get3A_4 = vector.shape_cast %get3A_3 : vector<1x1x512x512xf32> to vector<512x512xf32>
    %get3A_5 = arith.constant 0 : index
    %get3A_6 = arith.constant 1 : index
    %get3A_7 = arith.constant 0 : index
    %get3A_8 = arith.constant 0 : index
    %get3A_9 = vector.load %arg1[%get3A_5, %get3A_6, %get3A_7, %get3A_8] : memref<1x3x512x512xf32, #tpu.memory_space<vmem>>, vector<1x1x512x512xf32>
    %get3A_10 = vector.shape_cast %get3A_9 : vector<1x1x512x512xf32> to vector<512x512xf32>
    %get3A_11 = arith.constant 0 : index
    %get3A_12 = arith.constant 2 : index
    %get3A_13 = arith.constant 0 : index
    %get3A_14 = arith.constant 0 : index
    %get3A_15 = vector.load %arg1[%get3A_11, %get3A_12, %get3A_13, %get3A_14] : memref<1x3x512x512xf32, #tpu.memory_space<vmem>>, vector<1x1x512x512xf32>
    %get3A_16 = vector.shape_cast %get3A_15 : vector<1x1x512x512xf32> to vector<512x512xf32>
    %add3A = arith.addf %get3A_4, %get3A_10 : vector<512x512xf32>
    %add3A_17 = arith.addf %add3A, %get3A_16 : vector<512x512xf32>
    %mul3A = arith.constant 0.00261437916 : f32
    %mul3A_18 = vector.broadcast %mul3A : f32 to vector<512x512xf32>
    %mul3A_19 = arith.mulf %add3A_17, %mul3A_18 : vector<512x512xf32>
    %sub3A = arith.constant 1.000000e+00 : f32
    %sub3A_20 = vector.broadcast %sub3A : f32 to vector<512x512xf32>
    %sub3A_21 = arith.subf %mul3A_19, %sub3A_20 : vector<512x512xf32>
    %get3A_22 = arith.constant 0 : index
    %get3A_23 = arith.constant 0 : index
    %get3A_24 = arith.constant 0 : index
    %get3A_25 = arith.constant 0 : index
    %get3A_26 = vector.load %arg2[%get3A_22, %get3A_23, %get3A_24, %get3A_25] : memref<1x3x512x512xi32, #tpu.memory_space<vmem>>, vector<1x1x512x512xi32>
    %get3A_27 = vector.shape_cast %get3A_26 : vector<1x1x512x512xi32> to vector<512x512xi32>
    %get3A_28 = arith.constant 0 : index
    %get3A_29 = arith.constant 1 : index
    %get3A_30 = arith.constant 0 : index
    %get3A_31 = arith.constant 0 : index
    %get3A_32 = vector.load %arg2[%get3A_28, %get3A_29, %get3A_30, %get3A_31] : memref<1x3x512x512xi32, #tpu.memory_space<vmem>>, vector<1x1x512x512xi32>
    %get3A_33 = vector.shape_cast %get3A_32 : vector<1x1x512x512xi32> to vector<512x512xi32>
    %get3A_34 = arith.constant 0 : index
    %get3A_35 = arith.constant 2 : index
    %get3A_36 = arith.constant 0 : index
    %get3A_37 = arith.constant 0 : index
    %get3A_38 = vector.load %arg2[%get3A_34, %get3A_35, %get3A_36, %get3A_37] : memref<1x3x512x512xi32, #tpu.memory_space<vmem>>, vector<1x1x512x512xi32>
    %get3A_39 = vector.shape_cast %get3A_38 : vector<1x1x512x512xi32> to vector<512x512xi32>
    %add3A_40 = arith.addi %get3A_27, %get3A_33 : vector<512x512xi32>
    %add3A_41 = arith.addi %add3A_40, %get3A_39 : vector<512x512xi32>
    %ge3A = arith.constant 383 : i32
    %ge3A_42 = vector.broadcast %ge3A : i32 to vector<512x512xi32>
    %ge3A_43 = arith.cmpi sge, %add3A_41, %ge3A_42 : vector<512x512xi32>
    %sub3A_44 = arith.constant 1.000000e+00 : f32
    %sub3A_45 = vector.broadcast %sub3A_44 : f32 to vector<512x512xf32>
    %sub3A_46 = arith.subf %sub3A_45, %sub3A_21 : vector<512x512xf32>
    %add3A_47 = arith.constant 1.000000e+00 : f32
    %add3A_48 = vector.broadcast %add3A_47 : f32 to vector<512x512xf32>
    %add3A_49 = arith.addf %add3A_48, %sub3A_21 : vector<512x512xf32>
    %select_n3A = arith.select %ge3A_43, %sub3A_46, %add3A_49 : vector<512x512xi1>, vector<512x512xf32>
    %max3A = arith.constant 0.000000e+00 : f32
    %max3A_50 = vector.broadcast %max3A : f32 to vector<512x512xf32>
    %max3A_51 = arith.maximumf %select_n3A, %max3A_50 : vector<512x512xf32>
    %neg3A = arith.constant 0.000000e+00 : f32
    %neg3A_52 = vector.broadcast %neg3A : f32 to vector<512x512xf32>
    %neg3A_53 = arith.subf %neg3A_52, %max3A_51 : vector<512x512xf32>
    %select_n3A_54 = arith.select %ge3A_43, %max3A_51, %neg3A_53 : vector<512x512xi1>, vector<512x512xf32>
    %slice3A = vector.extract_strided_slice %select_n3A_54 {offsets = [0, 0], sizes = [512, 128], strides = [1, 1]} : vector<512x512xf32> to vector<512x128xf32>
    %swap3A = arith.constant 0 : index
    %swap3A_55 = arith.constant 0 : index
    %swap3A_56 = vector.load %arg3[%swap3A, %swap3A_55] : memref<2048x128xf32, #tpu.memory_space<vmem>>, vector<512x128xf32>
    tpu.vector_store %arg3[%swap3A, %swap3A_55], %slice3A {strides = array<i32>} : memref<2048x128xf32, #tpu.memory_space<vmem>>, vector<512x128xf32>,
    %slice3A_57 = vector.extract_strided_slice %select_n3A_54 {offsets = [0, 128], sizes = [512, 128], strides = [1, 1]} : vector<512x512xf32> to vector<512x128xf32>
    %swap3A_58 = arith.constant 512 : index
    %swap3A_59 = arith.constant 0 : index
    %swap3A_60 = vector.load %arg3[%swap3A_58, %swap3A_59] : memref<2048x128xf32, #tpu.memory_space<vmem>>, vector<512x128xf32>
    tpu.vector_store %arg3[%swap3A_58, %swap3A_59], %slice3A_57 {strides = array<i32>} : memref<2048x128xf32, #tpu.memory_space<vmem>>, vector<512x128xf32>,
    %slice3A_61 = vector.extract_strided_slice %select_n3A_54 {offsets = [0, 256], sizes = [512, 128], strides = [1, 1]} : vector<512x512xf32> to vector<512x128xf32>
    %swap3A_62 = arith.constant 1024 : index
    %swap3A_63 = arith.constant 0 : index
    %swap3A_64 = vector.load %arg3[%swap3A_62, %swap3A_63] : memref<2048x128xf32, #tpu.memory_space<vmem>>, vector<512x128xf32>
    tpu.vector_store %arg3[%swap3A_62, %swap3A_63], %slice3A_61 {strides = array<i32>} : memref<2048x128xf32, #tpu.memory_space<vmem>>, vector<512x128xf32>,
    %slice3A_65 = vector.extract_strided_slice %select_n3A_54 {offsets = [0, 384], sizes = [512, 128], strides = [1, 1]} : vector<512x512xf32> to vector<512x128xf32>
    %swap3A_66 = arith.constant 1536 : index
    %swap3A_67 = arith.constant 0 : index
    %swap3A_68 = vector.load %arg3[%swap3A_66, %swap3A_67] : memref<2048x128xf32, #tpu.memory_space<vmem>>, vector<512x128xf32>
    tpu.vector_store %arg3[%swap3A_66, %swap3A_67], %slice3A_65 {strides = array<i32>} : memref<2048x128xf32, #tpu.memory_space<vmem>>, vector<512x128xf32>,
    return
  }
  func.func @transform_0(%arg0: i32) -> (i32, i32, i32, i32) {
    %c0_i32 = arith.constant 0 : i32
    %c0_i32_0 = arith.constant 0 : i32
    %c0_i32_1 = arith.constant 0 : i32
    %c0_i32_2 = arith.constant 0 : i32
    return %arg0, %c0_i32, %c0_i32_0, %c0_i32_1 : i32, i32, i32, i32
  }
  func.func @transform_1(%arg0: i32) -> (i32, i32, i32, i32) {
    %c0_i32 = arith.constant 0 : i32
    %c0_i32_0 = arith.constant 0 : i32
    %c0_i32_1 = arith.constant 0 : i32
    %c0_i32_2 = arith.constant 0 : i32
    return %arg0, %c0_i32, %c0_i32_0, %c0_i32_1 : i32, i32, i32, i32
  }
  func.func @transform_2(%arg0: i32) -> (i32, i32) {
    %c0_i32 = arith.constant 0 : i32
    %c0_i32_0 = arith.constant 0 : i32
    return %arg0, %c0_i32 : i32, i32
  }
}

module attributes {stable_mosaic.version = 14 : i64} {
  func.func @_finish_body(%arg0: memref<16384x128xf32, #tpu.memory_space<vmem>>, %arg1: memref<1x1xf32, #tpu.memory_space<vmem>>) attributes {dimension_semantics = [], scalar_prefetch = 0 : i64, scratch_operands = 0 : i64, tpu.core_type = #tpu.core_type<tc>} {
    %get3A = arith.constant 0 : index
    %get3A_0 = arith.constant 0 : index
    %get3A_1 = vector.load %arg0[%get3A, %get3A_0] : memref<16384x128xf32, #tpu.memory_space<vmem>>, vector<16384x128xf32>
    %iota3A = tpu.iota {dimensions = array<i32: 1>} : vector<256x16384xi32>
    %iota3A_2 = tpu.iota {dimensions = array<i32: 0>} : vector<256x16384xi32>
    %jit3A = arith.constant 256 : i32
    %div3A = vector.broadcast %jit3A : i32 to vector<256x16384xi32>
    %div3A_3 = arith.divsi %iota3A, %div3A : vector<256x16384xi32>
    %sign3A = arith.constant 0 : i32
    %sign3A_4 = vector.broadcast %sign3A : i32 to vector<256x16384xi32>
    %sign3A_5 = arith.cmpi sgt, %iota3A, %sign3A_4 : vector<256x16384xi32>
    %sign3A_6 = arith.extui %sign3A_5 : vector<256x16384xi1> to vector<256x16384xi32>
    %sign3A_7 = arith.constant 0 : i32
    %sign3A_8 = vector.broadcast %sign3A_7 : i32 to vector<256x16384xi32>
    %sign3A_9 = arith.cmpi slt, %iota3A, %sign3A_8 : vector<256x16384xi32>
    %sign3A_10 = arith.extui %sign3A_9 : vector<256x16384xi1> to vector<256x16384xi32>
    %sign3A_11 = arith.subi %sign3A_6, %sign3A_10 : vector<256x16384xi32>
    %sign3A_12 = arith.constant 0 : i32
    %sign3A_13 = arith.cmpi sgt, %jit3A, %sign3A_12 : i32
    %sign3A_14 = arith.extui %sign3A_13 : i1 to i32
    %sign3A_15 = arith.constant 0 : i32
    %sign3A_16 = arith.cmpi slt, %jit3A, %sign3A_15 : i32
    %sign3A_17 = arith.extui %sign3A_16 : i1 to i32
    %sign3A_18 = arith.subi %sign3A_14, %sign3A_17 : i32
    %ne3A = vector.broadcast %sign3A_18 : i32 to vector<256x16384xi32>
    %ne3A_19 = arith.cmpi ne, %sign3A_11, %ne3A : vector<256x16384xi32>
    %rem3A = vector.broadcast %jit3A : i32 to vector<256x16384xi32>
    %rem3A_20 = arith.remsi %iota3A, %rem3A : vector<256x16384xi32>
    %ne3A_21 = arith.constant 0 : i32
    %ne3A_22 = vector.broadcast %ne3A_21 : i32 to vector<256x16384xi32>
    %ne3A_23 = arith.cmpi ne, %rem3A_20, %ne3A_22 : vector<256x16384xi32>
    %and3A = arith.andi %ne3A_19, %ne3A_23 : vector<256x16384xi1>
    %sub3A = arith.constant 1 : i32
    %sub3A_24 = vector.broadcast %sub3A : i32 to vector<256x16384xi32>
    %sub3A_25 = arith.subi %div3A_3, %sub3A_24 : vector<256x16384xi32>
    %select_n3A = arith.select %and3A, %sub3A_25, %div3A_3 : vector<256x16384xi1>, vector<256x16384xi32>
    %jit3A_26 = arith.constant 2 : i32
    %eq3A = arith.constant 0 : i32
    %eq3A_27 = arith.cmpi eq, %jit3A_26, %eq3A : i32
    %jit3A_28 = arith.constant 1 : i32
    %select_n3A_29 = arith.select %eq3A_27, %jit3A_28, %jit3A_26 : i32
    %rem3A_30 = vector.broadcast %select_n3A_29 : i32 to vector<256x16384xi32>
    %rem3A_31 = arith.remsi %select_n3A, %rem3A_30 : vector<256x16384xi32>
    %ne3A_32 = arith.constant 0 : i32
    %ne3A_33 = vector.broadcast %ne3A_32 : i32 to vector<256x16384xi32>
    %ne3A_34 = arith.cmpi ne, %rem3A_31, %ne3A_33 : vector<256x16384xi32>
    %lt3A = arith.constant 0 : i32
    %lt3A_35 = vector.broadcast %lt3A : i32 to vector<256x16384xi32>
    %lt3A_36 = arith.cmpi slt, %rem3A_31, %lt3A_35 : vector<256x16384xi32>
    %lt3A_37 = arith.constant 0 : i32
    %lt3A_38 = arith.cmpi slt, %select_n3A_29, %lt3A_37 : i32
    %ne3A_39 = vector.broadcast %lt3A_38 : i1 to vector<256x16384xi1>
    %ne3A_40 = vector.broadcast %ne3A_39 : vector<256x16384xi1> to vector<256x16384xi1>
    %ne3A_41 = arith.xori %lt3A_36, %ne3A_40 : vector<256x16384xi1>
    %and3A_42 = arith.andi %ne3A_41, %ne3A_34 : vector<256x16384xi1>
    %add3A = vector.broadcast %select_n3A_29 : i32 to vector<256x16384xi32>
    %add3A_43 = arith.addi %rem3A_31, %add3A : vector<256x16384xi32>
    %select_n3A_44 = arith.select %and3A_42, %add3A_43, %rem3A_31 : vector<256x16384xi1>, vector<256x16384xi32>
    %jit3A_45 = arith.constant 2048 : i32
    %div3A_46 = vector.broadcast %jit3A_45 : i32 to vector<256x16384xi32>
    %div3A_47 = arith.divsi %iota3A, %div3A_46 : vector<256x16384xi32>
    %sign3A_48 = arith.constant 0 : i32
    %sign3A_49 = vector.broadcast %sign3A_48 : i32 to vector<256x16384xi32>
    %sign3A_50 = arith.cmpi sgt, %iota3A, %sign3A_49 : vector<256x16384xi32>
    %sign3A_51 = arith.extui %sign3A_50 : vector<256x16384xi1> to vector<256x16384xi32>
    %sign3A_52 = arith.constant 0 : i32
    %sign3A_53 = vector.broadcast %sign3A_52 : i32 to vector<256x16384xi32>
    %sign3A_54 = arith.cmpi slt, %iota3A, %sign3A_53 : vector<256x16384xi32>
    %sign3A_55 = arith.extui %sign3A_54 : vector<256x16384xi1> to vector<256x16384xi32>
    %sign3A_56 = arith.subi %sign3A_51, %sign3A_55 : vector<256x16384xi32>
    %sign3A_57 = arith.constant 0 : i32
    %sign3A_58 = arith.cmpi sgt, %jit3A_45, %sign3A_57 : i32
    %sign3A_59 = arith.extui %sign3A_58 : i1 to i32
    %sign3A_60 = arith.constant 0 : i32
    %sign3A_61 = arith.cmpi slt, %jit3A_45, %sign3A_60 : i32
    %sign3A_62 = arith.extui %sign3A_61 : i1 to i32
    %sign3A_63 = arith.subi %sign3A_59, %sign3A_62 : i32
    %ne3A_64 = vector.broadcast %sign3A_63 : i32 to vector<256x16384xi32>
    %ne3A_65 = arith.cmpi ne, %sign3A_56, %ne3A_64 : vector<256x16384xi32>
    %rem3A_66 = vector.broadcast %jit3A_45 : i32 to vector<256x16384xi32>
    %rem3A_67 = arith.remsi %iota3A, %rem3A_66 : vector<256x16384xi32>
    %ne3A_68 = arith.constant 0 : i32
    %ne3A_69 = vector.broadcast %ne3A_68 : i32 to vector<256x16384xi32>
    %ne3A_70 = arith.cmpi ne, %rem3A_67, %ne3A_69 : vector<256x16384xi32>
    %and3A_71 = arith.andi %ne3A_65, %ne3A_70 : vector<256x16384xi1>
    %sub3A_72 = arith.constant 1 : i32
    %sub3A_73 = vector.broadcast %sub3A_72 : i32 to vector<256x16384xi32>
    %sub3A_74 = arith.subi %div3A_47, %sub3A_73 : vector<256x16384xi32>
    %select_n3A_75 = arith.select %and3A_71, %sub3A_74, %div3A_47 : vector<256x16384xi1>, vector<256x16384xi32>
    %jit3A_76 = arith.constant 16 : i32
    %eq3A_77 = arith.constant 0 : i32
    %eq3A_78 = arith.cmpi eq, %jit3A_76, %eq3A_77 : i32
    %jit3A_79 = arith.constant 1 : i32
    %select_n3A_80 = arith.select %eq3A_78, %jit3A_79, %jit3A_76 : i32
    %rem3A_81 = vector.broadcast %select_n3A_80 : i32 to vector<256x16384xi32>
    %rem3A_82 = arith.remsi %iota3A, %rem3A_81 : vector<256x16384xi32>
    %ne3A_83 = arith.constant 0 : i32
    %ne3A_84 = vector.broadcast %ne3A_83 : i32 to vector<256x16384xi32>
    %ne3A_85 = arith.cmpi ne, %rem3A_82, %ne3A_84 : vector<256x16384xi32>
    %lt3A_86 = arith.constant 0 : i32
    %lt3A_87 = vector.broadcast %lt3A_86 : i32 to vector<256x16384xi32>
    %lt3A_88 = arith.cmpi slt, %rem3A_82, %lt3A_87 : vector<256x16384xi32>
    %lt3A_89 = arith.constant 0 : i32
    %lt3A_90 = arith.cmpi slt, %select_n3A_80, %lt3A_89 : i32
    %ne3A_91 = vector.broadcast %lt3A_90 : i1 to vector<256x16384xi1>
    %ne3A_92 = vector.broadcast %ne3A_91 : vector<256x16384xi1> to vector<256x16384xi1>
    %ne3A_93 = arith.xori %lt3A_88, %ne3A_92 : vector<256x16384xi1>
    %and3A_94 = arith.andi %ne3A_93, %ne3A_85 : vector<256x16384xi1>
    %add3A_95 = vector.broadcast %select_n3A_80 : i32 to vector<256x16384xi32>
    %add3A_96 = arith.addi %rem3A_82, %add3A_95 : vector<256x16384xi32>
    %select_n3A_97 = arith.select %and3A_94, %add3A_96, %rem3A_82 : vector<256x16384xi1>, vector<256x16384xi32>
    %jit3A_98 = arith.constant 128 : i32
    %div3A_99 = vector.broadcast %jit3A_98 : i32 to vector<256x16384xi32>
    %div3A_100 = arith.divsi %iota3A_2, %div3A_99 : vector<256x16384xi32>
    %sign3A_101 = arith.constant 0 : i32
    %sign3A_102 = vector.broadcast %sign3A_101 : i32 to vector<256x16384xi32>
    %sign3A_103 = arith.cmpi sgt, %iota3A_2, %sign3A_102 : vector<256x16384xi32>
    %sign3A_104 = arith.extui %sign3A_103 : vector<256x16384xi1> to vector<256x16384xi32>
    %sign3A_105 = arith.constant 0 : i32
    %sign3A_106 = vector.broadcast %sign3A_105 : i32 to vector<256x16384xi32>
    %sign3A_107 = arith.cmpi slt, %iota3A_2, %sign3A_106 : vector<256x16384xi32>
    %sign3A_108 = arith.extui %sign3A_107 : vector<256x16384xi1> to vector<256x16384xi32>
    %sign3A_109 = arith.subi %sign3A_104, %sign3A_108 : vector<256x16384xi32>
    %sign3A_110 = arith.constant 0 : i32
    %sign3A_111 = arith.cmpi sgt, %jit3A_98, %sign3A_110 : i32
    %sign3A_112 = arith.extui %sign3A_111 : i1 to i32
    %sign3A_113 = arith.constant 0 : i32
    %sign3A_114 = arith.cmpi slt, %jit3A_98, %sign3A_113 : i32
    %sign3A_115 = arith.extui %sign3A_114 : i1 to i32
    %sign3A_116 = arith.subi %sign3A_112, %sign3A_115 : i32
    %ne3A_117 = vector.broadcast %sign3A_116 : i32 to vector<256x16384xi32>
    %ne3A_118 = arith.cmpi ne, %sign3A_109, %ne3A_117 : vector<256x16384xi32>
    %rem3A_119 = vector.broadcast %jit3A_98 : i32 to vector<256x16384xi32>
    %rem3A_120 = arith.remsi %iota3A_2, %rem3A_119 : vector<256x16384xi32>
    %ne3A_121 = arith.constant 0 : i32
    %ne3A_122 = vector.broadcast %ne3A_121 : i32 to vector<256x16384xi32>
    %ne3A_123 = arith.cmpi ne, %rem3A_120, %ne3A_122 : vector<256x16384xi32>
    %and3A_124 = arith.andi %ne3A_118, %ne3A_123 : vector<256x16384xi1>
    %sub3A_125 = arith.constant 1 : i32
    %sub3A_126 = vector.broadcast %sub3A_125 : i32 to vector<256x16384xi32>
    %sub3A_127 = arith.subi %div3A_100, %sub3A_126 : vector<256x16384xi32>
    %select_n3A_128 = arith.select %and3A_124, %sub3A_127, %div3A_100 : vector<256x16384xi1>, vector<256x16384xi32>
    %eq3A_129 = arith.cmpi eq, %select_n3A_44, %select_n3A_128 : vector<256x16384xi32>
    %jit3A_130 = arith.constant 16 : i32
    %div3A_131 = vector.broadcast %jit3A_130 : i32 to vector<256x16384xi32>
    %div3A_132 = arith.divsi %iota3A_2, %div3A_131 : vector<256x16384xi32>
    %sign3A_133 = arith.constant 0 : i32
    %sign3A_134 = vector.broadcast %sign3A_133 : i32 to vector<256x16384xi32>
    %sign3A_135 = arith.cmpi sgt, %iota3A_2, %sign3A_134 : vector<256x16384xi32>
    %sign3A_136 = arith.extui %sign3A_135 : vector<256x16384xi1> to vector<256x16384xi32>
    %sign3A_137 = arith.constant 0 : i32
    %sign3A_138 = vector.broadcast %sign3A_137 : i32 to vector<256x16384xi32>
    %sign3A_139 = arith.cmpi slt, %iota3A_2, %sign3A_138 : vector<256x16384xi32>
    %sign3A_140 = arith.extui %sign3A_139 : vector<256x16384xi1> to vector<256x16384xi32>
    %sign3A_141 = arith.subi %sign3A_136, %sign3A_140 : vector<256x16384xi32>
    %sign3A_142 = arith.constant 0 : i32
    %sign3A_143 = arith.cmpi sgt, %jit3A_130, %sign3A_142 : i32
    %sign3A_144 = arith.extui %sign3A_143 : i1 to i32
    %sign3A_145 = arith.constant 0 : i32
    %sign3A_146 = arith.cmpi slt, %jit3A_130, %sign3A_145 : i32
    %sign3A_147 = arith.extui %sign3A_146 : i1 to i32
    %sign3A_148 = arith.subi %sign3A_144, %sign3A_147 : i32
    %ne3A_149 = vector.broadcast %sign3A_148 : i32 to vector<256x16384xi32>
    %ne3A_150 = arith.cmpi ne, %sign3A_141, %ne3A_149 : vector<256x16384xi32>
    %rem3A_151 = vector.broadcast %jit3A_130 : i32 to vector<256x16384xi32>
    %rem3A_152 = arith.remsi %iota3A_2, %rem3A_151 : vector<256x16384xi32>
    %ne3A_153 = arith.constant 0 : i32
    %ne3A_154 = vector.broadcast %ne3A_153 : i32 to vector<256x16384xi32>
    %ne3A_155 = arith.cmpi ne, %rem3A_152, %ne3A_154 : vector<256x16384xi32>
    %and3A_156 = arith.andi %ne3A_150, %ne3A_155 : vector<256x16384xi1>
    %sub3A_157 = arith.constant 1 : i32
    %sub3A_158 = vector.broadcast %sub3A_157 : i32 to vector<256x16384xi32>
    %sub3A_159 = arith.subi %div3A_132, %sub3A_158 : vector<256x16384xi32>
    %select_n3A_160 = arith.select %and3A_156, %sub3A_159, %div3A_132 : vector<256x16384xi1>, vector<256x16384xi32>
    %jit3A_161 = arith.constant 8 : i32
    %eq3A_162 = arith.constant 0 : i32
    %eq3A_163 = arith.cmpi eq, %jit3A_161, %eq3A_162 : i32
    %jit3A_164 = arith.constant 1 : i32
    %select_n3A_165 = arith.select %eq3A_163, %jit3A_164, %jit3A_161 : i32
    %rem3A_166 = vector.broadcast %select_n3A_165 : i32 to vector<256x16384xi32>
    %rem3A_167 = arith.remsi %select_n3A_160, %rem3A_166 : vector<256x16384xi32>
    %ne3A_168 = arith.constant 0 : i32
    %ne3A_169 = vector.broadcast %ne3A_168 : i32 to vector<256x16384xi32>
    %ne3A_170 = arith.cmpi ne, %rem3A_167, %ne3A_169 : vector<256x16384xi32>
    %lt3A_171 = arith.constant 0 : i32
    %lt3A_172 = vector.broadcast %lt3A_171 : i32 to vector<256x16384xi32>
    %lt3A_173 = arith.cmpi slt, %rem3A_167, %lt3A_172 : vector<256x16384xi32>
    %lt3A_174 = arith.constant 0 : i32
    %lt3A_175 = arith.cmpi slt, %select_n3A_165, %lt3A_174 : i32
    %ne3A_176 = vector.broadcast %lt3A_175 : i1 to vector<256x16384xi1>
    %ne3A_177 = vector.broadcast %ne3A_176 : vector<256x16384xi1> to vector<256x16384xi1>
    %ne3A_178 = arith.xori %lt3A_173, %ne3A_177 : vector<256x16384xi1>
    %and3A_179 = arith.andi %ne3A_178, %ne3A_170 : vector<256x16384xi1>
    %add3A_180 = vector.broadcast %select_n3A_165 : i32 to vector<256x16384xi32>
    %add3A_181 = arith.addi %rem3A_167, %add3A_180 : vector<256x16384xi32>
    %select_n3A_182 = arith.select %and3A_179, %add3A_181, %rem3A_167 : vector<256x16384xi1>, vector<256x16384xi32>
    %eq3A_183 = arith.cmpi eq, %select_n3A_75, %select_n3A_182 : vector<256x16384xi32>
    %and3A_184 = arith.andi %eq3A_129, %eq3A_183 : vector<256x16384xi1>
    %jit3A_185 = arith.constant 16 : i32
    %eq3A_186 = arith.constant 0 : i32
    %eq3A_187 = arith.cmpi eq, %jit3A_185, %eq3A_186 : i32
    %jit3A_188 = arith.constant 1 : i32
    %select_n3A_189 = arith.select %eq3A_187, %jit3A_188, %jit3A_185 : i32
    %rem3A_190 = vector.broadcast %select_n3A_189 : i32 to vector<256x16384xi32>
    %rem3A_191 = arith.remsi %iota3A_2, %rem3A_190 : vector<256x16384xi32>
    %ne3A_192 = arith.constant 0 : i32
    %ne3A_193 = vector.broadcast %ne3A_192 : i32 to vector<256x16384xi32>
    %ne3A_194 = arith.cmpi ne, %rem3A_191, %ne3A_193 : vector<256x16384xi32>
    %lt3A_195 = arith.constant 0 : i32
    %lt3A_196 = vector.broadcast %lt3A_195 : i32 to vector<256x16384xi32>
    %lt3A_197 = arith.cmpi slt, %rem3A_191, %lt3A_196 : vector<256x16384xi32>
    %lt3A_198 = arith.constant 0 : i32
    %lt3A_199 = arith.cmpi slt, %select_n3A_189, %lt3A_198 : i32
    %ne3A_200 = vector.broadcast %lt3A_199 : i1 to vector<256x16384xi1>
    %ne3A_201 = vector.broadcast %ne3A_200 : vector<256x16384xi1> to vector<256x16384xi1>
    %ne3A_202 = arith.xori %lt3A_197, %ne3A_201 : vector<256x16384xi1>
    %and3A_203 = arith.andi %ne3A_202, %ne3A_194 : vector<256x16384xi1>
    %add3A_204 = vector.broadcast %select_n3A_189 : i32 to vector<256x16384xi32>
    %add3A_205 = arith.addi %rem3A_191, %add3A_204 : vector<256x16384xi32>
    %select_n3A_206 = arith.select %and3A_203, %add3A_205, %rem3A_191 : vector<256x16384xi1>, vector<256x16384xi32>
    %eq3A_207 = arith.cmpi eq, %select_n3A_97, %select_n3A_206 : vector<256x16384xi32>
    %and3A_208 = arith.andi %and3A_184, %eq3A_207 : vector<256x16384xi1>
    %convert_element_type3A = arith.extui %and3A_208 : vector<256x16384xi1> to vector<256x16384xi32>
    %convert_element_type3A_209 = arith.sitofp %convert_element_type3A : vector<256x16384xi32> to vector<256x16384xf32>
    %dot_general3A = arith.constant dense<0.000000e+00> : vector<256x128xf32>
    %dot_general3A_210 = tpu.matmul %convert_element_type3A_209, %get3A_1, %dot_general3A {dimension_numbers = #tpu.dot_dimension_numbers<[1], [0], [0], [1], [0, 0, 1, 1], [], []>, transpose_lhs_hint = false} : vector<256x16384xf32>, vector<16384x128xf32>, vector<256x128xf32> -> vector<256x128xf32>
    %iota3A_211 = tpu.iota {dimensions = array<i32: 0>} : vector<128x128xi32>
    %iota3A_212 = tpu.iota {dimensions = array<i32: 1>} : vector<128x128xi32>
    %gt3A = arith.cmpi sgt, %iota3A_211, %iota3A_212 : vector<128x128xi32>
    %convert_element_type3A_213 = arith.extui %gt3A : vector<128x128xi1> to vector<128x128xi32>
    %convert_element_type3A_214 = arith.sitofp %convert_element_type3A_213 : vector<128x128xi32> to vector<128x128xf32>
    %iota3A_215 = tpu.iota {dimensions = array<i32: 0>} : vector<8x8xi32>
    %iota3A_216 = tpu.iota {dimensions = array<i32: 1>} : vector<8x8xi32>
    %gt3A_217 = arith.cmpi sgt, %iota3A_216, %iota3A_215 : vector<8x8xi32>
    %convert_element_type3A_218 = arith.extui %gt3A_217 : vector<8x8xi1> to vector<8x8xi32>
    %convert_element_type3A_219 = arith.sitofp %convert_element_type3A_218 : vector<8x8xi32> to vector<8x8xf32>
    %iota3A_220 = tpu.iota {dimensions = array<i32: 0>} : vector<8x128xi32>
    %iota3A_221 = tpu.iota {dimensions = array<i32: 1>} : vector<8x128xi32>
    %mul3A = arith.constant 128 : i32
    %mul3A_222 = vector.broadcast %mul3A : i32 to vector<8x128xi32>
    %mul3A_223 = arith.muli %iota3A_220, %mul3A_222 : vector<8x128xi32>
    %add3A_224 = arith.addi %mul3A_223, %iota3A_221 : vector<8x128xi32>
    %add3A_225 = arith.constant 1 : i32
    %add3A_226 = vector.broadcast %add3A_225 : i32 to vector<8x128xi32>
    %add3A_227 = arith.addi %add3A_224, %add3A_226 : vector<8x128xi32>
    %convert_element_type3A_228 = arith.sitofp %add3A_227 : vector<8x128xi32> to vector<8x128xf32>
    %mul3A_229 = arith.constant 0.001953125 : f32
    %mul3A_230 = vector.broadcast %mul3A_229 : f32 to vector<8x128xf32>
    %mul3A_231 = arith.mulf %convert_element_type3A_228, %mul3A_230 : vector<8x128xf32>
    %broadcast_in_dim3A = arith.constant 0.000000e+00 : f32
    %broadcast_in_dim3A_232 = vector.broadcast %broadcast_in_dim3A : f32 to vector<1x1xf32>
    %slice3A = vector.extract_strided_slice %dot_general3A_210 {offsets = [0, 0], sizes = [8, 128], strides = [1, 1]} : vector<256x128xf32> to vector<8x128xf32>
    %slice3A_233 = vector.extract_strided_slice %dot_general3A_210 {offsets = [8, 0], sizes = [8, 128], strides = [1, 1]} : vector<256x128xf32> to vector<8x128xf32>
    %slice3A_234 = vector.extract_strided_slice %dot_general3A_210 {offsets = [128, 0], sizes = [8, 128], strides = [1, 1]} : vector<256x128xf32> to vector<8x128xf32>
    %slice3A_235 = vector.extract_strided_slice %dot_general3A_210 {offsets = [136, 0], sizes = [8, 128], strides = [1, 1]} : vector<256x128xf32> to vector<8x128xf32>
    %reduce_sum3A = arith.constant dense<0.000000e+00> : vector<8xf32>
    %reduce_sum3A_236 = vector.multi_reduction <add>, %slice3A, %reduce_sum3A [1] : vector<8x128xf32> to vector<8xf32>
    %broadcast_in_dim3A_237 = vector.shape_cast %reduce_sum3A_236 : vector<8xf32> to vector<8x1xf32>
    %dot_general3A_238 = arith.constant dense<0.000000e+00> : vector<8x1xf32>
    %dot_general3A_239 = tpu.matmul %convert_element_type3A_219, %broadcast_in_dim3A_237, %dot_general3A_238 {dimension_numbers = #tpu.dot_dimension_numbers<[1], [0], [0], [1], [0, 0, 1, 1], [], []>, transpose_lhs_hint = false} : vector<8x8xf32>, vector<8x1xf32>, vector<8x1xf32> -> vector<8x1xf32>
    %dot_general3A_240 = arith.constant dense<0.000000e+00> : vector<8x128xf32>
    %dot_general3A_241 = tpu.matmul %slice3A, %convert_element_type3A_214, %dot_general3A_240 {dimension_numbers = #tpu.dot_dimension_numbers<[1], [0], [0], [1], [0, 0, 1, 1], [], []>, transpose_lhs_hint = false} : vector<8x128xf32>, vector<128x128xf32>, vector<8x128xf32> -> vector<8x128xf32>
    %add3A_242 = vector.broadcast %dot_general3A_239 : vector<8x1xf32> to vector<8x128xf32>
    %add3A_243 = arith.addf %add3A_242, %dot_general3A_241 : vector<8x128xf32>
    %reduce_sum3A_244 = arith.constant dense<0.000000e+00> : vector<8xf32>
    %reduce_sum3A_245 = vector.multi_reduction <add>, %slice3A_233, %reduce_sum3A_244 [1] : vector<8x128xf32> to vector<8xf32>
    %broadcast_in_dim3A_246 = vector.shape_cast %reduce_sum3A_245 : vector<8xf32> to vector<8x1xf32>
    %dot_general3A_247 = arith.constant dense<0.000000e+00> : vector<8x1xf32>
    %dot_general3A_248 = tpu.matmul %convert_element_type3A_219, %broadcast_in_dim3A_246, %dot_general3A_247 {dimension_numbers = #tpu.dot_dimension_numbers<[1], [0], [0], [1], [0, 0, 1, 1], [], []>, transpose_lhs_hint = false} : vector<8x8xf32>, vector<8x1xf32>, vector<8x1xf32> -> vector<8x1xf32>
    %dot_general3A_249 = arith.constant dense<0.000000e+00> : vector<8x128xf32>
    %dot_general3A_250 = tpu.matmul %slice3A_233, %convert_element_type3A_214, %dot_general3A_249 {dimension_numbers = #tpu.dot_dimension_numbers<[1], [0], [0], [1], [0, 0, 1, 1], [], []>, transpose_lhs_hint = false} : vector<8x128xf32>, vector<128x128xf32>, vector<8x128xf32> -> vector<8x128xf32>
    %add3A_251 = vector.broadcast %dot_general3A_248 : vector<8x1xf32> to vector<8x128xf32>
    %add3A_252 = arith.addf %add3A_251, %dot_general3A_250 : vector<8x128xf32>
    %reduce_sum3A_253 = arith.constant dense<0.000000e+00> : vector<8xf32>
    %reduce_sum3A_254 = vector.multi_reduction <add>, %slice3A_233, %reduce_sum3A_253 [1] : vector<8x128xf32> to vector<8xf32>
    %broadcast_in_dim3A_255 = vector.shape_cast %reduce_sum3A_254 : vector<8xf32> to vector<8x1xf32>
    %reduce_sum3A_256 = arith.constant dense<0.000000e+00> : vector<1xf32>
    %reduce_sum3A_257 = vector.multi_reduction <add>, %broadcast_in_dim3A_255, %reduce_sum3A_256 [0] : vector<8x1xf32> to vector<1xf32>
    %broadcast_in_dim3A_258 = vector.shape_cast %reduce_sum3A_257 : vector<1xf32> to vector<1x1xf32>
    %add3A_259 = vector.broadcast %broadcast_in_dim3A_258 : vector<1x1xf32> to vector<8x128xf32>
    %add3A_260 = arith.addf %add3A_259, %add3A_243 : vector<8x128xf32>
    %mul3A_261 = arith.constant 5.000000e-01 : f32
    %mul3A_262 = vector.broadcast %mul3A_261 : f32 to vector<8x128xf32>
    %mul3A_263 = arith.mulf %mul3A_262, %slice3A : vector<8x128xf32>
    %add3A_264 = arith.addf %add3A_260, %mul3A_263 : vector<8x128xf32>
    %max3A = arith.constant 1.000000e+00 : f32
    %max3A_265 = vector.broadcast %max3A : f32 to vector<8x128xf32>
    %max3A_266 = arith.maximumf %add3A_264, %max3A_265 : vector<8x128xf32>
    %div3A_267 = arith.divf %slice3A_235, %max3A_266 : vector<8x128xf32>
    %reduce_sum3A_268 = arith.constant dense<0.000000e+00> : vector<8xf32>
    %reduce_sum3A_269 = vector.multi_reduction <add>, %div3A_267, %reduce_sum3A_268 [1] : vector<8x128xf32> to vector<8xf32>
    %broadcast_in_dim3A_270 = vector.shape_cast %reduce_sum3A_269 : vector<8xf32> to vector<8x1xf32>
    %reduce_sum3A_271 = arith.constant dense<0.000000e+00> : vector<1xf32>
    %reduce_sum3A_272 = vector.multi_reduction <add>, %broadcast_in_dim3A_270, %reduce_sum3A_271 [0] : vector<8x1xf32> to vector<1xf32>
    %broadcast_in_dim3A_273 = vector.shape_cast %reduce_sum3A_272 : vector<1xf32> to vector<1x1xf32>
    %sub3A_274 = vector.broadcast %broadcast_in_dim3A_258 : vector<1x1xf32> to vector<8x128xf32>
    %sub3A_275 = arith.subf %sub3A_274, %add3A_252 : vector<8x128xf32>
    %mul3A_276 = arith.constant 5.000000e-01 : f32
    %mul3A_277 = vector.broadcast %mul3A_276 : f32 to vector<8x128xf32>
    %mul3A_278 = arith.mulf %mul3A_277, %slice3A_233 : vector<8x128xf32>
    %sub3A_279 = arith.subf %sub3A_275, %mul3A_278 : vector<8x128xf32>
    %mul3A_280 = arith.mulf %slice3A_234, %sub3A_279 : vector<8x128xf32>
    %add3A_281 = vector.broadcast %broadcast_in_dim3A_258 : vector<1x1xf32> to vector<8x128xf32>
    %add3A_282 = arith.addf %add3A_281, %add3A_243 : vector<8x128xf32>
    %add3A_283 = vector.broadcast %broadcast_in_dim3A_258 : vector<1x1xf32> to vector<8x128xf32>
    %add3A_284 = arith.addf %add3A_283, %add3A_243 : vector<8x128xf32>
    %add3A_285 = arith.addf %add3A_284, %slice3A : vector<8x128xf32>
    %mul3A_286 = arith.mulf %add3A_282, %add3A_285 : vector<8x128xf32>
    %max3A_287 = arith.constant 1.000000e+00 : f32
    %max3A_288 = vector.broadcast %max3A_287 : f32 to vector<8x128xf32>
    %max3A_289 = arith.maximumf %mul3A_286, %max3A_288 : vector<8x128xf32>
    %div3A_290 = arith.divf %mul3A_280, %max3A_289 : vector<8x128xf32>
    %reduce_sum3A_291 = arith.constant dense<0.000000e+00> : vector<8xf32>
    %reduce_sum3A_292 = vector.multi_reduction <add>, %div3A_290, %reduce_sum3A_291 [1] : vector<8x128xf32> to vector<8xf32>
    %broadcast_in_dim3A_293 = vector.shape_cast %reduce_sum3A_292 : vector<8xf32> to vector<8x1xf32>
    %reduce_sum3A_294 = arith.constant dense<0.000000e+00> : vector<1xf32>
    %reduce_sum3A_295 = vector.multi_reduction <add>, %broadcast_in_dim3A_293, %reduce_sum3A_294 [0] : vector<8x1xf32> to vector<1xf32>
    %broadcast_in_dim3A_296 = vector.shape_cast %reduce_sum3A_295 : vector<1xf32> to vector<1x1xf32>
    %add3A_297 = arith.addf %slice3A, %slice3A_233 : vector<8x128xf32>
    %gt3A_298 = arith.constant 0.000000e+00 : f32
    %gt3A_299 = vector.broadcast %gt3A_298 : f32 to vector<8x128xf32>
    %gt3A_300 = arith.cmpf ogt, %add3A_297, %gt3A_299 : vector<8x128xf32>
    %jit3A_301 = arith.constant 0.000000e+00 : f32
    %broadcast_in_dim3A_302 = vector.broadcast %jit3A_301 : f32 to vector<8x128xf32>
    %select_n3A_303 = arith.select %gt3A_300, %mul3A_231, %broadcast_in_dim3A_302 : vector<8x128xi1>, vector<8x128xf32>
    %reduce_max3A = arith.constant dense<0xFF800000> : vector<8xf32>
    %reduce_max3A_304 = vector.multi_reduction <maximumf>, %select_n3A_303, %reduce_max3A [1] : vector<8x128xf32> to vector<8xf32>
    %broadcast_in_dim3A_305 = vector.shape_cast %reduce_max3A_304 : vector<8xf32> to vector<8x1xf32>
    %reduce_max3A_306 = arith.constant dense<0xFF800000> : vector<1xf32>
    %reduce_max3A_307 = vector.multi_reduction <maximumf>, %broadcast_in_dim3A_305, %reduce_max3A_306 [0] : vector<8x1xf32> to vector<1xf32>
    %broadcast_in_dim3A_308 = vector.shape_cast %reduce_max3A_307 : vector<1xf32> to vector<1x1xf32>
    %gt3A_309 = arith.constant 0.000000e+00 : f32
    %gt3A_310 = vector.broadcast %gt3A_309 : f32 to vector<1x1xf32>
    %gt3A_311 = arith.cmpf ogt, %broadcast_in_dim3A_258, %gt3A_310 : vector<1x1xf32>
    %add3A_312 = arith.addf %broadcast_in_dim3A_273, %broadcast_in_dim3A_296 : vector<1x1xf32>
    %select_n3A_313 = arith.select %gt3A_311, %add3A_312, %broadcast_in_dim3A_308 : vector<1x1xi1>, vector<1x1xf32>
    %add3A_314 = arith.addf %broadcast_in_dim3A_232, %select_n3A_313 : vector<1x1xf32>
    %slice3A_315 = vector.extract_strided_slice %dot_general3A_210 {offsets = [16, 0], sizes = [8, 128], strides = [1, 1]} : vector<256x128xf32> to vector<8x128xf32>
    %slice3A_316 = vector.extract_strided_slice %dot_general3A_210 {offsets = [24, 0], sizes = [8, 128], strides = [1, 1]} : vector<256x128xf32> to vector<8x128xf32>
    %slice3A_317 = vector.extract_strided_slice %dot_general3A_210 {offsets = [144, 0], sizes = [8, 128], strides = [1, 1]} : vector<256x128xf32> to vector<8x128xf32>
    %slice3A_318 = vector.extract_strided_slice %dot_general3A_210 {offsets = [152, 0], sizes = [8, 128], strides = [1, 1]} : vector<256x128xf32> to vector<8x128xf32>
    %reduce_sum3A_319 = arith.constant dense<0.000000e+00> : vector<8xf32>
    %reduce_sum3A_320 = vector.multi_reduction <add>, %slice3A_315, %reduce_sum3A_319 [1] : vector<8x128xf32> to vector<8xf32>
    %broadcast_in_dim3A_321 = vector.shape_cast %reduce_sum3A_320 : vector<8xf32> to vector<8x1xf32>
    %dot_general3A_322 = arith.constant dense<0.000000e+00> : vector<8x1xf32>
    %dot_general3A_323 = tpu.matmul %convert_element_type3A_219, %broadcast_in_dim3A_321, %dot_general3A_322 {dimension_numbers = #tpu.dot_dimension_numbers<[1], [0], [0], [1], [0, 0, 1, 1], [], []>, transpose_lhs_hint = false} : vector<8x8xf32>, vector<8x1xf32>, vector<8x1xf32> -> vector<8x1xf32>
    %dot_general3A_324 = arith.constant dense<0.000000e+00> : vector<8x128xf32>
    %dot_general3A_325 = tpu.matmul %slice3A_315, %convert_element_type3A_214, %dot_general3A_324 {dimension_numbers = #tpu.dot_dimension_numbers<[1], [0], [0], [1], [0, 0, 1, 1], [], []>, transpose_lhs_hint = false} : vector<8x128xf32>, vector<128x128xf32>, vector<8x128xf32> -> vector<8x128xf32>
    %add3A_326 = vector.broadcast %dot_general3A_323 : vector<8x1xf32> to vector<8x128xf32>
    %add3A_327 = arith.addf %add3A_326, %dot_general3A_325 : vector<8x128xf32>
    %reduce_sum3A_328 = arith.constant dense<0.000000e+00> : vector<8xf32>
    %reduce_sum3A_329 = vector.multi_reduction <add>, %slice3A_316, %reduce_sum3A_328 [1] : vector<8x128xf32> to vector<8xf32>
    %broadcast_in_dim3A_330 = vector.shape_cast %reduce_sum3A_329 : vector<8xf32> to vector<8x1xf32>
    %dot_general3A_331 = arith.constant dense<0.000000e+00> : vector<8x1xf32>
    %dot_general3A_332 = tpu.matmul %convert_element_type3A_219, %broadcast_in_dim3A_330, %dot_general3A_331 {dimension_numbers = #tpu.dot_dimension_numbers<[1], [0], [0], [1], [0, 0, 1, 1], [], []>, transpose_lhs_hint = false} : vector<8x8xf32>, vector<8x1xf32>, vector<8x1xf32> -> vector<8x1xf32>
    %dot_general3A_333 = arith.constant dense<0.000000e+00> : vector<8x128xf32>
    %dot_general3A_334 = tpu.matmul %slice3A_316, %convert_element_type3A_214, %dot_general3A_333 {dimension_numbers = #tpu.dot_dimension_numbers<[1], [0], [0], [1], [0, 0, 1, 1], [], []>, transpose_lhs_hint = false} : vector<8x128xf32>, vector<128x128xf32>, vector<8x128xf32> -> vector<8x128xf32>
    %add3A_335 = vector.broadcast %dot_general3A_332 : vector<8x1xf32> to vector<8x128xf32>
    %add3A_336 = arith.addf %add3A_335, %dot_general3A_334 : vector<8x128xf32>
    %reduce_sum3A_337 = arith.constant dense<0.000000e+00> : vector<8xf32>
    %reduce_sum3A_338 = vector.multi_reduction <add>, %slice3A_316, %reduce_sum3A_337 [1] : vector<8x128xf32> to vector<8xf32>
    %broadcast_in_dim3A_339 = vector.shape_cast %reduce_sum3A_338 : vector<8xf32> to vector<8x1xf32>
    %reduce_sum3A_340 = arith.constant dense<0.000000e+00> : vector<1xf32>
    %reduce_sum3A_341 = vector.multi_reduction <add>, %broadcast_in_dim3A_339, %reduce_sum3A_340 [0] : vector<8x1xf32> to vector<1xf32>
    %broadcast_in_dim3A_342 = vector.shape_cast %reduce_sum3A_341 : vector<1xf32> to vector<1x1xf32>
    %add3A_343 = vector.broadcast %broadcast_in_dim3A_342 : vector<1x1xf32> to vector<8x128xf32>
    %add3A_344 = arith.addf %add3A_343, %add3A_327 : vector<8x128xf32>
    %mul3A_345 = arith.constant 5.000000e-01 : f32
    %mul3A_346 = vector.broadcast %mul3A_345 : f32 to vector<8x128xf32>
    %mul3A_347 = arith.mulf %mul3A_346, %slice3A_315 : vector<8x128xf32>
    %add3A_348 = arith.addf %add3A_344, %mul3A_347 : vector<8x128xf32>
    %max3A_349 = arith.constant 1.000000e+00 : f32
    %max3A_350 = vector.broadcast %max3A_349 : f32 to vector<8x128xf32>
    %max3A_351 = arith.maximumf %add3A_348, %max3A_350 : vector<8x128xf32>
    %div3A_352 = arith.divf %slice3A_318, %max3A_351 : vector<8x128xf32>
    %reduce_sum3A_353 = arith.constant dense<0.000000e+00> : vector<8xf32>
    %reduce_sum3A_354 = vector.multi_reduction <add>, %div3A_352, %reduce_sum3A_353 [1] : vector<8x128xf32> to vector<8xf32>
    %broadcast_in_dim3A_355 = vector.shape_cast %reduce_sum3A_354 : vector<8xf32> to vector<8x1xf32>
    %reduce_sum3A_356 = arith.constant dense<0.000000e+00> : vector<1xf32>
    %reduce_sum3A_357 = vector.multi_reduction <add>, %broadcast_in_dim3A_355, %reduce_sum3A_356 [0] : vector<8x1xf32> to vector<1xf32>
    %broadcast_in_dim3A_358 = vector.shape_cast %reduce_sum3A_357 : vector<1xf32> to vector<1x1xf32>
    %sub3A_359 = vector.broadcast %broadcast_in_dim3A_342 : vector<1x1xf32> to vector<8x128xf32>
    %sub3A_360 = arith.subf %sub3A_359, %add3A_336 : vector<8x128xf32>
    %mul3A_361 = arith.constant 5.000000e-01 : f32
    %mul3A_362 = vector.broadcast %mul3A_361 : f32 to vector<8x128xf32>
    %mul3A_363 = arith.mulf %mul3A_362, %slice3A_316 : vector<8x128xf32>
    %sub3A_364 = arith.subf %sub3A_360, %mul3A_363 : vector<8x128xf32>
    %mul3A_365 = arith.mulf %slice3A_317, %sub3A_364 : vector<8x128xf32>
    %add3A_366 = vector.broadcast %broadcast_in_dim3A_342 : vector<1x1xf32> to vector<8x128xf32>
    %add3A_367 = arith.addf %add3A_366, %add3A_327 : vector<8x128xf32>
    %add3A_368 = vector.broadcast %broadcast_in_dim3A_342 : vector<1x1xf32> to vector<8x128xf32>
    %add3A_369 = arith.addf %add3A_368, %add3A_327 : vector<8x128xf32>
    %add3A_370 = arith.addf %add3A_369, %slice3A_315 : vector<8x128xf32>
    %mul3A_371 = arith.mulf %add3A_367, %add3A_370 : vector<8x128xf32>
    %max3A_372 = arith.constant 1.000000e+00 : f32
    %max3A_373 = vector.broadcast %max3A_372 : f32 to vector<8x128xf32>
    %max3A_374 = arith.maximumf %mul3A_371, %max3A_373 : vector<8x128xf32>
    %div3A_375 = arith.divf %mul3A_365, %max3A_374 : vector<8x128xf32>
    %reduce_sum3A_376 = arith.constant dense<0.000000e+00> : vector<8xf32>
    %reduce_sum3A_377 = vector.multi_reduction <add>, %div3A_375, %reduce_sum3A_376 [1] : vector<8x128xf32> to vector<8xf32>
    %broadcast_in_dim3A_378 = vector.shape_cast %reduce_sum3A_377 : vector<8xf32> to vector<8x1xf32>
    %reduce_sum3A_379 = arith.constant dense<0.000000e+00> : vector<1xf32>
    %reduce_sum3A_380 = vector.multi_reduction <add>, %broadcast_in_dim3A_378, %reduce_sum3A_379 [0] : vector<8x1xf32> to vector<1xf32>
    %broadcast_in_dim3A_381 = vector.shape_cast %reduce_sum3A_380 : vector<1xf32> to vector<1x1xf32>
    %add3A_382 = arith.addf %slice3A_315, %slice3A_316 : vector<8x128xf32>
    %gt3A_383 = arith.constant 0.000000e+00 : f32
    %gt3A_384 = vector.broadcast %gt3A_383 : f32 to vector<8x128xf32>
    %gt3A_385 = arith.cmpf ogt, %add3A_382, %gt3A_384 : vector<8x128xf32>
    %jit3A_386 = arith.constant 0.000000e+00 : f32
    %broadcast_in_dim3A_387 = vector.broadcast %jit3A_386 : f32 to vector<8x128xf32>
    %select_n3A_388 = arith.select %gt3A_385, %mul3A_231, %broadcast_in_dim3A_387 : vector<8x128xi1>, vector<8x128xf32>
    %reduce_max3A_389 = arith.constant dense<0xFF800000> : vector<8xf32>
    %reduce_max3A_390 = vector.multi_reduction <maximumf>, %select_n3A_388, %reduce_max3A_389 [1] : vector<8x128xf32> to vector<8xf32>
    %broadcast_in_dim3A_391 = vector.shape_cast %reduce_max3A_390 : vector<8xf32> to vector<8x1xf32>
    %reduce_max3A_392 = arith.constant dense<0xFF800000> : vector<1xf32>
    %reduce_max3A_393 = vector.multi_reduction <maximumf>, %broadcast_in_dim3A_391, %reduce_max3A_392 [0] : vector<8x1xf32> to vector<1xf32>
    %broadcast_in_dim3A_394 = vector.shape_cast %reduce_max3A_393 : vector<1xf32> to vector<1x1xf32>
    %gt3A_395 = arith.constant 0.000000e+00 : f32
    %gt3A_396 = vector.broadcast %gt3A_395 : f32 to vector<1x1xf32>
    %gt3A_397 = arith.cmpf ogt, %broadcast_in_dim3A_342, %gt3A_396 : vector<1x1xf32>
    %add3A_398 = arith.addf %broadcast_in_dim3A_358, %broadcast_in_dim3A_381 : vector<1x1xf32>
    %select_n3A_399 = arith.select %gt3A_397, %add3A_398, %broadcast_in_dim3A_394 : vector<1x1xi1>, vector<1x1xf32>
    %add3A_400 = arith.addf %add3A_314, %select_n3A_399 : vector<1x1xf32>
    %slice3A_401 = vector.extract_strided_slice %dot_general3A_210 {offsets = [32, 0], sizes = [8, 128], strides = [1, 1]} : vector<256x128xf32> to vector<8x128xf32>
    %slice3A_402 = vector.extract_strided_slice %dot_general3A_210 {offsets = [40, 0], sizes = [8, 128], strides = [1, 1]} : vector<256x128xf32> to vector<8x128xf32>
    %slice3A_403 = vector.extract_strided_slice %dot_general3A_210 {offsets = [160, 0], sizes = [8, 128], strides = [1, 1]} : vector<256x128xf32> to vector<8x128xf32>
    %slice3A_404 = vector.extract_strided_slice %dot_general3A_210 {offsets = [168, 0], sizes = [8, 128], strides = [1, 1]} : vector<256x128xf32> to vector<8x128xf32>
    %reduce_sum3A_405 = arith.constant dense<0.000000e+00> : vector<8xf32>
    %reduce_sum3A_406 = vector.multi_reduction <add>, %slice3A_401, %reduce_sum3A_405 [1] : vector<8x128xf32> to vector<8xf32>
    %broadcast_in_dim3A_407 = vector.shape_cast %reduce_sum3A_406 : vector<8xf32> to vector<8x1xf32>
    %dot_general3A_408 = arith.constant dense<0.000000e+00> : vector<8x1xf32>
    %dot_general3A_409 = tpu.matmul %convert_element_type3A_219, %broadcast_in_dim3A_407, %dot_general3A_408 {dimension_numbers = #tpu.dot_dimension_numbers<[1], [0], [0], [1], [0, 0, 1, 1], [], []>, transpose_lhs_hint = false} : vector<8x8xf32>, vector<8x1xf32>, vector<8x1xf32> -> vector<8x1xf32>
    %dot_general3A_410 = arith.constant dense<0.000000e+00> : vector<8x128xf32>
    %dot_general3A_411 = tpu.matmul %slice3A_401, %convert_element_type3A_214, %dot_general3A_410 {dimension_numbers = #tpu.dot_dimension_numbers<[1], [0], [0], [1], [0, 0, 1, 1], [], []>, transpose_lhs_hint = false} : vector<8x128xf32>, vector<128x128xf32>, vector<8x128xf32> -> vector<8x128xf32>
    %add3A_412 = vector.broadcast %dot_general3A_409 : vector<8x1xf32> to vector<8x128xf32>
    %add3A_413 = arith.addf %add3A_412, %dot_general3A_411 : vector<8x128xf32>
    %reduce_sum3A_414 = arith.constant dense<0.000000e+00> : vector<8xf32>
    %reduce_sum3A_415 = vector.multi_reduction <add>, %slice3A_402, %reduce_sum3A_414 [1] : vector<8x128xf32> to vector<8xf32>
    %broadcast_in_dim3A_416 = vector.shape_cast %reduce_sum3A_415 : vector<8xf32> to vector<8x1xf32>
    %dot_general3A_417 = arith.constant dense<0.000000e+00> : vector<8x1xf32>
    %dot_general3A_418 = tpu.matmul %convert_element_type3A_219, %broadcast_in_dim3A_416, %dot_general3A_417 {dimension_numbers = #tpu.dot_dimension_numbers<[1], [0], [0], [1], [0, 0, 1, 1], [], []>, transpose_lhs_hint = false} : vector<8x8xf32>, vector<8x1xf32>, vector<8x1xf32> -> vector<8x1xf32>
    %dot_general3A_419 = arith.constant dense<0.000000e+00> : vector<8x128xf32>
    %dot_general3A_420 = tpu.matmul %slice3A_402, %convert_element_type3A_214, %dot_general3A_419 {dimension_numbers = #tpu.dot_dimension_numbers<[1], [0], [0], [1], [0, 0, 1, 1], [], []>, transpose_lhs_hint = false} : vector<8x128xf32>, vector<128x128xf32>, vector<8x128xf32> -> vector<8x128xf32>
    %add3A_421 = vector.broadcast %dot_general3A_418 : vector<8x1xf32> to vector<8x128xf32>
    %add3A_422 = arith.addf %add3A_421, %dot_general3A_420 : vector<8x128xf32>
    %reduce_sum3A_423 = arith.constant dense<0.000000e+00> : vector<8xf32>
    %reduce_sum3A_424 = vector.multi_reduction <add>, %slice3A_402, %reduce_sum3A_423 [1] : vector<8x128xf32> to vector<8xf32>
    %broadcast_in_dim3A_425 = vector.shape_cast %reduce_sum3A_424 : vector<8xf32> to vector<8x1xf32>
    %reduce_sum3A_426 = arith.constant dense<0.000000e+00> : vector<1xf32>
    %reduce_sum3A_427 = vector.multi_reduction <add>, %broadcast_in_dim3A_425, %reduce_sum3A_426 [0] : vector<8x1xf32> to vector<1xf32>
    %broadcast_in_dim3A_428 = vector.shape_cast %reduce_sum3A_427 : vector<1xf32> to vector<1x1xf32>
    %add3A_429 = vector.broadcast %broadcast_in_dim3A_428 : vector<1x1xf32> to vector<8x128xf32>
    %add3A_430 = arith.addf %add3A_429, %add3A_413 : vector<8x128xf32>
    %mul3A_431 = arith.constant 5.000000e-01 : f32
    %mul3A_432 = vector.broadcast %mul3A_431 : f32 to vector<8x128xf32>
    %mul3A_433 = arith.mulf %mul3A_432, %slice3A_401 : vector<8x128xf32>
    %add3A_434 = arith.addf %add3A_430, %mul3A_433 : vector<8x128xf32>
    %max3A_435 = arith.constant 1.000000e+00 : f32
    %max3A_436 = vector.broadcast %max3A_435 : f32 to vector<8x128xf32>
    %max3A_437 = arith.maximumf %add3A_434, %max3A_436 : vector<8x128xf32>
    %div3A_438 = arith.divf %slice3A_404, %max3A_437 : vector<8x128xf32>
    %reduce_sum3A_439 = arith.constant dense<0.000000e+00> : vector<8xf32>
    %reduce_sum3A_440 = vector.multi_reduction <add>, %div3A_438, %reduce_sum3A_439 [1] : vector<8x128xf32> to vector<8xf32>
    %broadcast_in_dim3A_441 = vector.shape_cast %reduce_sum3A_440 : vector<8xf32> to vector<8x1xf32>
    %reduce_sum3A_442 = arith.constant dense<0.000000e+00> : vector<1xf32>
    %reduce_sum3A_443 = vector.multi_reduction <add>, %broadcast_in_dim3A_441, %reduce_sum3A_442 [0] : vector<8x1xf32> to vector<1xf32>
    %broadcast_in_dim3A_444 = vector.shape_cast %reduce_sum3A_443 : vector<1xf32> to vector<1x1xf32>
    %sub3A_445 = vector.broadcast %broadcast_in_dim3A_428 : vector<1x1xf32> to vector<8x128xf32>
    %sub3A_446 = arith.subf %sub3A_445, %add3A_422 : vector<8x128xf32>
    %mul3A_447 = arith.constant 5.000000e-01 : f32
    %mul3A_448 = vector.broadcast %mul3A_447 : f32 to vector<8x128xf32>
    %mul3A_449 = arith.mulf %mul3A_448, %slice3A_402 : vector<8x128xf32>
    %sub3A_450 = arith.subf %sub3A_446, %mul3A_449 : vector<8x128xf32>
    %mul3A_451 = arith.mulf %slice3A_403, %sub3A_450 : vector<8x128xf32>
    %add3A_452 = vector.broadcast %broadcast_in_dim3A_428 : vector<1x1xf32> to vector<8x128xf32>
    %add3A_453 = arith.addf %add3A_452, %add3A_413 : vector<8x128xf32>
    %add3A_454 = vector.broadcast %broadcast_in_dim3A_428 : vector<1x1xf32> to vector<8x128xf32>
    %add3A_455 = arith.addf %add3A_454, %add3A_413 : vector<8x128xf32>
    %add3A_456 = arith.addf %add3A_455, %slice3A_401 : vector<8x128xf32>
    %mul3A_457 = arith.mulf %add3A_453, %add3A_456 : vector<8x128xf32>
    %max3A_458 = arith.constant 1.000000e+00 : f32
    %max3A_459 = vector.broadcast %max3A_458 : f32 to vector<8x128xf32>
    %max3A_460 = arith.maximumf %mul3A_457, %max3A_459 : vector<8x128xf32>
    %div3A_461 = arith.divf %mul3A_451, %max3A_460 : vector<8x128xf32>
    %reduce_sum3A_462 = arith.constant dense<0.000000e+00> : vector<8xf32>
    %reduce_sum3A_463 = vector.multi_reduction <add>, %div3A_461, %reduce_sum3A_462 [1] : vector<8x128xf32> to vector<8xf32>
    %broadcast_in_dim3A_464 = vector.shape_cast %reduce_sum3A_463 : vector<8xf32> to vector<8x1xf32>
    %reduce_sum3A_465 = arith.constant dense<0.000000e+00> : vector<1xf32>
    %reduce_sum3A_466 = vector.multi_reduction <add>, %broadcast_in_dim3A_464, %reduce_sum3A_465 [0] : vector<8x1xf32> to vector<1xf32>
    %broadcast_in_dim3A_467 = vector.shape_cast %reduce_sum3A_466 : vector<1xf32> to vector<1x1xf32>
    %add3A_468 = arith.addf %slice3A_401, %slice3A_402 : vector<8x128xf32>
    %gt3A_469 = arith.constant 0.000000e+00 : f32
    %gt3A_470 = vector.broadcast %gt3A_469 : f32 to vector<8x128xf32>
    %gt3A_471 = arith.cmpf ogt, %add3A_468, %gt3A_470 : vector<8x128xf32>
    %jit3A_472 = arith.constant 0.000000e+00 : f32
    %broadcast_in_dim3A_473 = vector.broadcast %jit3A_472 : f32 to vector<8x128xf32>
    %select_n3A_474 = arith.select %gt3A_471, %mul3A_231, %broadcast_in_dim3A_473 : vector<8x128xi1>, vector<8x128xf32>
    %reduce_max3A_475 = arith.constant dense<0xFF800000> : vector<8xf32>
    %reduce_max3A_476 = vector.multi_reduction <maximumf>, %select_n3A_474, %reduce_max3A_475 [1] : vector<8x128xf32> to vector<8xf32>
    %broadcast_in_dim3A_477 = vector.shape_cast %reduce_max3A_476 : vector<8xf32> to vector<8x1xf32>
    %reduce_max3A_478 = arith.constant dense<0xFF800000> : vector<1xf32>
    %reduce_max3A_479 = vector.multi_reduction <maximumf>, %broadcast_in_dim3A_477, %reduce_max3A_478 [0] : vector<8x1xf32> to vector<1xf32>
    %broadcast_in_dim3A_480 = vector.shape_cast %reduce_max3A_479 : vector<1xf32> to vector<1x1xf32>
    %gt3A_481 = arith.constant 0.000000e+00 : f32
    %gt3A_482 = vector.broadcast %gt3A_481 : f32 to vector<1x1xf32>
    %gt3A_483 = arith.cmpf ogt, %broadcast_in_dim3A_428, %gt3A_482 : vector<1x1xf32>
    %add3A_484 = arith.addf %broadcast_in_dim3A_444, %broadcast_in_dim3A_467 : vector<1x1xf32>
    %select_n3A_485 = arith.select %gt3A_483, %add3A_484, %broadcast_in_dim3A_480 : vector<1x1xi1>, vector<1x1xf32>
    %add3A_486 = arith.addf %add3A_400, %select_n3A_485 : vector<1x1xf32>
    %slice3A_487 = vector.extract_strided_slice %dot_general3A_210 {offsets = [48, 0], sizes = [8, 128], strides = [1, 1]} : vector<256x128xf32> to vector<8x128xf32>
    %slice3A_488 = vector.extract_strided_slice %dot_general3A_210 {offsets = [56, 0], sizes = [8, 128], strides = [1, 1]} : vector<256x128xf32> to vector<8x128xf32>
    %slice3A_489 = vector.extract_strided_slice %dot_general3A_210 {offsets = [176, 0], sizes = [8, 128], strides = [1, 1]} : vector<256x128xf32> to vector<8x128xf32>
    %slice3A_490 = vector.extract_strided_slice %dot_general3A_210 {offsets = [184, 0], sizes = [8, 128], strides = [1, 1]} : vector<256x128xf32> to vector<8x128xf32>
    %reduce_sum3A_491 = arith.constant dense<0.000000e+00> : vector<8xf32>
    %reduce_sum3A_492 = vector.multi_reduction <add>, %slice3A_487, %reduce_sum3A_491 [1] : vector<8x128xf32> to vector<8xf32>
    %broadcast_in_dim3A_493 = vector.shape_cast %reduce_sum3A_492 : vector<8xf32> to vector<8x1xf32>
    %dot_general3A_494 = arith.constant dense<0.000000e+00> : vector<8x1xf32>
    %dot_general3A_495 = tpu.matmul %convert_element_type3A_219, %broadcast_in_dim3A_493, %dot_general3A_494 {dimension_numbers = #tpu.dot_dimension_numbers<[1], [0], [0], [1], [0, 0, 1, 1], [], []>, transpose_lhs_hint = false} : vector<8x8xf32>, vector<8x1xf32>, vector<8x1xf32> -> vector<8x1xf32>
    %dot_general3A_496 = arith.constant dense<0.000000e+00> : vector<8x128xf32>
    %dot_general3A_497 = tpu.matmul %slice3A_487, %convert_element_type3A_214, %dot_general3A_496 {dimension_numbers = #tpu.dot_dimension_numbers<[1], [0], [0], [1], [0, 0, 1, 1], [], []>, transpose_lhs_hint = false} : vector<8x128xf32>, vector<128x128xf32>, vector<8x128xf32> -> vector<8x128xf32>
    %add3A_498 = vector.broadcast %dot_general3A_495 : vector<8x1xf32> to vector<8x128xf32>
    %add3A_499 = arith.addf %add3A_498, %dot_general3A_497 : vector<8x128xf32>
    %reduce_sum3A_500 = arith.constant dense<0.000000e+00> : vector<8xf32>
    %reduce_sum3A_501 = vector.multi_reduction <add>, %slice3A_488, %reduce_sum3A_500 [1] : vector<8x128xf32> to vector<8xf32>
    %broadcast_in_dim3A_502 = vector.shape_cast %reduce_sum3A_501 : vector<8xf32> to vector<8x1xf32>
    %dot_general3A_503 = arith.constant dense<0.000000e+00> : vector<8x1xf32>
    %dot_general3A_504 = tpu.matmul %convert_element_type3A_219, %broadcast_in_dim3A_502, %dot_general3A_503 {dimension_numbers = #tpu.dot_dimension_numbers<[1], [0], [0], [1], [0, 0, 1, 1], [], []>, transpose_lhs_hint = false} : vector<8x8xf32>, vector<8x1xf32>, vector<8x1xf32> -> vector<8x1xf32>
    %dot_general3A_505 = arith.constant dense<0.000000e+00> : vector<8x128xf32>
    %dot_general3A_506 = tpu.matmul %slice3A_488, %convert_element_type3A_214, %dot_general3A_505 {dimension_numbers = #tpu.dot_dimension_numbers<[1], [0], [0], [1], [0, 0, 1, 1], [], []>, transpose_lhs_hint = false} : vector<8x128xf32>, vector<128x128xf32>, vector<8x128xf32> -> vector<8x128xf32>
    %add3A_507 = vector.broadcast %dot_general3A_504 : vector<8x1xf32> to vector<8x128xf32>
    %add3A_508 = arith.addf %add3A_507, %dot_general3A_506 : vector<8x128xf32>
    %reduce_sum3A_509 = arith.constant dense<0.000000e+00> : vector<8xf32>
    %reduce_sum3A_510 = vector.multi_reduction <add>, %slice3A_488, %reduce_sum3A_509 [1] : vector<8x128xf32> to vector<8xf32>
    %broadcast_in_dim3A_511 = vector.shape_cast %reduce_sum3A_510 : vector<8xf32> to vector<8x1xf32>
    %reduce_sum3A_512 = arith.constant dense<0.000000e+00> : vector<1xf32>
    %reduce_sum3A_513 = vector.multi_reduction <add>, %broadcast_in_dim3A_511, %reduce_sum3A_512 [0] : vector<8x1xf32> to vector<1xf32>
    %broadcast_in_dim3A_514 = vector.shape_cast %reduce_sum3A_513 : vector<1xf32> to vector<1x1xf32>
    %add3A_515 = vector.broadcast %broadcast_in_dim3A_514 : vector<1x1xf32> to vector<8x128xf32>
    %add3A_516 = arith.addf %add3A_515, %add3A_499 : vector<8x128xf32>
    %mul3A_517 = arith.constant 5.000000e-01 : f32
    %mul3A_518 = vector.broadcast %mul3A_517 : f32 to vector<8x128xf32>
    %mul3A_519 = arith.mulf %mul3A_518, %slice3A_487 : vector<8x128xf32>
    %add3A_520 = arith.addf %add3A_516, %mul3A_519 : vector<8x128xf32>
    %max3A_521 = arith.constant 1.000000e+00 : f32
    %max3A_522 = vector.broadcast %max3A_521 : f32 to vector<8x128xf32>
    %max3A_523 = arith.maximumf %add3A_520, %max3A_522 : vector<8x128xf32>
    %div3A_524 = arith.divf %slice3A_490, %max3A_523 : vector<8x128xf32>
    %reduce_sum3A_525 = arith.constant dense<0.000000e+00> : vector<8xf32>
    %reduce_sum3A_526 = vector.multi_reduction <add>, %div3A_524, %reduce_sum3A_525 [1] : vector<8x128xf32> to vector<8xf32>
    %broadcast_in_dim3A_527 = vector.shape_cast %reduce_sum3A_526 : vector<8xf32> to vector<8x1xf32>
    %reduce_sum3A_528 = arith.constant dense<0.000000e+00> : vector<1xf32>
    %reduce_sum3A_529 = vector.multi_reduction <add>, %broadcast_in_dim3A_527, %reduce_sum3A_528 [0] : vector<8x1xf32> to vector<1xf32>
    %broadcast_in_dim3A_530 = vector.shape_cast %reduce_sum3A_529 : vector<1xf32> to vector<1x1xf32>
    %sub3A_531 = vector.broadcast %broadcast_in_dim3A_514 : vector<1x1xf32> to vector<8x128xf32>
    %sub3A_532 = arith.subf %sub3A_531, %add3A_508 : vector<8x128xf32>
    %mul3A_533 = arith.constant 5.000000e-01 : f32
    %mul3A_534 = vector.broadcast %mul3A_533 : f32 to vector<8x128xf32>
    %mul3A_535 = arith.mulf %mul3A_534, %slice3A_488 : vector<8x128xf32>
    %sub3A_536 = arith.subf %sub3A_532, %mul3A_535 : vector<8x128xf32>
    %mul3A_537 = arith.mulf %slice3A_489, %sub3A_536 : vector<8x128xf32>
    %add3A_538 = vector.broadcast %broadcast_in_dim3A_514 : vector<1x1xf32> to vector<8x128xf32>
    %add3A_539 = arith.addf %add3A_538, %add3A_499 : vector<8x128xf32>
    %add3A_540 = vector.broadcast %broadcast_in_dim3A_514 : vector<1x1xf32> to vector<8x128xf32>
    %add3A_541 = arith.addf %add3A_540, %add3A_499 : vector<8x128xf32>
    %add3A_542 = arith.addf %add3A_541, %slice3A_487 : vector<8x128xf32>
    %mul3A_543 = arith.mulf %add3A_539, %add3A_542 : vector<8x128xf32>
    %max3A_544 = arith.constant 1.000000e+00 : f32
    %max3A_545 = vector.broadcast %max3A_544 : f32 to vector<8x128xf32>
    %max3A_546 = arith.maximumf %mul3A_543, %max3A_545 : vector<8x128xf32>
    %div3A_547 = arith.divf %mul3A_537, %max3A_546 : vector<8x128xf32>
    %reduce_sum3A_548 = arith.constant dense<0.000000e+00> : vector<8xf32>
    %reduce_sum3A_549 = vector.multi_reduction <add>, %div3A_547, %reduce_sum3A_548 [1] : vector<8x128xf32> to vector<8xf32>
    %broadcast_in_dim3A_550 = vector.shape_cast %reduce_sum3A_549 : vector<8xf32> to vector<8x1xf32>
    %reduce_sum3A_551 = arith.constant dense<0.000000e+00> : vector<1xf32>
    %reduce_sum3A_552 = vector.multi_reduction <add>, %broadcast_in_dim3A_550, %reduce_sum3A_551 [0] : vector<8x1xf32> to vector<1xf32>
    %broadcast_in_dim3A_553 = vector.shape_cast %reduce_sum3A_552 : vector<1xf32> to vector<1x1xf32>
    %add3A_554 = arith.addf %slice3A_487, %slice3A_488 : vector<8x128xf32>
    %gt3A_555 = arith.constant 0.000000e+00 : f32
    %gt3A_556 = vector.broadcast %gt3A_555 : f32 to vector<8x128xf32>
    %gt3A_557 = arith.cmpf ogt, %add3A_554, %gt3A_556 : vector<8x128xf32>
    %jit3A_558 = arith.constant 0.000000e+00 : f32
    %broadcast_in_dim3A_559 = vector.broadcast %jit3A_558 : f32 to vector<8x128xf32>
    %select_n3A_560 = arith.select %gt3A_557, %mul3A_231, %broadcast_in_dim3A_559 : vector<8x128xi1>, vector<8x128xf32>
    %reduce_max3A_561 = arith.constant dense<0xFF800000> : vector<8xf32>
    %reduce_max3A_562 = vector.multi_reduction <maximumf>, %select_n3A_560, %reduce_max3A_561 [1] : vector<8x128xf32> to vector<8xf32>
    %broadcast_in_dim3A_563 = vector.shape_cast %reduce_max3A_562 : vector<8xf32> to vector<8x1xf32>
    %reduce_max3A_564 = arith.constant dense<0xFF800000> : vector<1xf32>
    %reduce_max3A_565 = vector.multi_reduction <maximumf>, %broadcast_in_dim3A_563, %reduce_max3A_564 [0] : vector<8x1xf32> to vector<1xf32>
    %broadcast_in_dim3A_566 = vector.shape_cast %reduce_max3A_565 : vector<1xf32> to vector<1x1xf32>
    %gt3A_567 = arith.constant 0.000000e+00 : f32
    %gt3A_568 = vector.broadcast %gt3A_567 : f32 to vector<1x1xf32>
    %gt3A_569 = arith.cmpf ogt, %broadcast_in_dim3A_514, %gt3A_568 : vector<1x1xf32>
    %add3A_570 = arith.addf %broadcast_in_dim3A_530, %broadcast_in_dim3A_553 : vector<1x1xf32>
    %select_n3A_571 = arith.select %gt3A_569, %add3A_570, %broadcast_in_dim3A_566 : vector<1x1xi1>, vector<1x1xf32>
    %add3A_572 = arith.addf %add3A_486, %select_n3A_571 : vector<1x1xf32>
    %slice3A_573 = vector.extract_strided_slice %dot_general3A_210 {offsets = [64, 0], sizes = [8, 128], strides = [1, 1]} : vector<256x128xf32> to vector<8x128xf32>
    %slice3A_574 = vector.extract_strided_slice %dot_general3A_210 {offsets = [72, 0], sizes = [8, 128], strides = [1, 1]} : vector<256x128xf32> to vector<8x128xf32>
    %slice3A_575 = vector.extract_strided_slice %dot_general3A_210 {offsets = [192, 0], sizes = [8, 128], strides = [1, 1]} : vector<256x128xf32> to vector<8x128xf32>
    %slice3A_576 = vector.extract_strided_slice %dot_general3A_210 {offsets = [200, 0], sizes = [8, 128], strides = [1, 1]} : vector<256x128xf32> to vector<8x128xf32>
    %reduce_sum3A_577 = arith.constant dense<0.000000e+00> : vector<8xf32>
    %reduce_sum3A_578 = vector.multi_reduction <add>, %slice3A_573, %reduce_sum3A_577 [1] : vector<8x128xf32> to vector<8xf32>
    %broadcast_in_dim3A_579 = vector.shape_cast %reduce_sum3A_578 : vector<8xf32> to vector<8x1xf32>
    %dot_general3A_580 = arith.constant dense<0.000000e+00> : vector<8x1xf32>
    %dot_general3A_581 = tpu.matmul %convert_element_type3A_219, %broadcast_in_dim3A_579, %dot_general3A_580 {dimension_numbers = #tpu.dot_dimension_numbers<[1], [0], [0], [1], [0, 0, 1, 1], [], []>, transpose_lhs_hint = false} : vector<8x8xf32>, vector<8x1xf32>, vector<8x1xf32> -> vector<8x1xf32>
    %dot_general3A_582 = arith.constant dense<0.000000e+00> : vector<8x128xf32>
    %dot_general3A_583 = tpu.matmul %slice3A_573, %convert_element_type3A_214, %dot_general3A_582 {dimension_numbers = #tpu.dot_dimension_numbers<[1], [0], [0], [1], [0, 0, 1, 1], [], []>, transpose_lhs_hint = false} : vector<8x128xf32>, vector<128x128xf32>, vector<8x128xf32> -> vector<8x128xf32>
    %add3A_584 = vector.broadcast %dot_general3A_581 : vector<8x1xf32> to vector<8x128xf32>
    %add3A_585 = arith.addf %add3A_584, %dot_general3A_583 : vector<8x128xf32>
    %reduce_sum3A_586 = arith.constant dense<0.000000e+00> : vector<8xf32>
    %reduce_sum3A_587 = vector.multi_reduction <add>, %slice3A_574, %reduce_sum3A_586 [1] : vector<8x128xf32> to vector<8xf32>
    %broadcast_in_dim3A_588 = vector.shape_cast %reduce_sum3A_587 : vector<8xf32> to vector<8x1xf32>
    %dot_general3A_589 = arith.constant dense<0.000000e+00> : vector<8x1xf32>
    %dot_general3A_590 = tpu.matmul %convert_element_type3A_219, %broadcast_in_dim3A_588, %dot_general3A_589 {dimension_numbers = #tpu.dot_dimension_numbers<[1], [0], [0], [1], [0, 0, 1, 1], [], []>, transpose_lhs_hint = false} : vector<8x8xf32>, vector<8x1xf32>, vector<8x1xf32> -> vector<8x1xf32>
    %dot_general3A_591 = arith.constant dense<0.000000e+00> : vector<8x128xf32>
    %dot_general3A_592 = tpu.matmul %slice3A_574, %convert_element_type3A_214, %dot_general3A_591 {dimension_numbers = #tpu.dot_dimension_numbers<[1], [0], [0], [1], [0, 0, 1, 1], [], []>, transpose_lhs_hint = false} : vector<8x128xf32>, vector<128x128xf32>, vector<8x128xf32> -> vector<8x128xf32>
    %add3A_593 = vector.broadcast %dot_general3A_590 : vector<8x1xf32> to vector<8x128xf32>
    %add3A_594 = arith.addf %add3A_593, %dot_general3A_592 : vector<8x128xf32>
    %reduce_sum3A_595 = arith.constant dense<0.000000e+00> : vector<8xf32>
    %reduce_sum3A_596 = vector.multi_reduction <add>, %slice3A_574, %reduce_sum3A_595 [1] : vector<8x128xf32> to vector<8xf32>
    %broadcast_in_dim3A_597 = vector.shape_cast %reduce_sum3A_596 : vector<8xf32> to vector<8x1xf32>
    %reduce_sum3A_598 = arith.constant dense<0.000000e+00> : vector<1xf32>
    %reduce_sum3A_599 = vector.multi_reduction <add>, %broadcast_in_dim3A_597, %reduce_sum3A_598 [0] : vector<8x1xf32> to vector<1xf32>
    %broadcast_in_dim3A_600 = vector.shape_cast %reduce_sum3A_599 : vector<1xf32> to vector<1x1xf32>
    %add3A_601 = vector.broadcast %broadcast_in_dim3A_600 : vector<1x1xf32> to vector<8x128xf32>
    %add3A_602 = arith.addf %add3A_601, %add3A_585 : vector<8x128xf32>
    %mul3A_603 = arith.constant 5.000000e-01 : f32
    %mul3A_604 = vector.broadcast %mul3A_603 : f32 to vector<8x128xf32>
    %mul3A_605 = arith.mulf %mul3A_604, %slice3A_573 : vector<8x128xf32>
    %add3A_606 = arith.addf %add3A_602, %mul3A_605 : vector<8x128xf32>
    %max3A_607 = arith.constant 1.000000e+00 : f32
    %max3A_608 = vector.broadcast %max3A_607 : f32 to vector<8x128xf32>
    %max3A_609 = arith.maximumf %add3A_606, %max3A_608 : vector<8x128xf32>
    %div3A_610 = arith.divf %slice3A_576, %max3A_609 : vector<8x128xf32>
    %reduce_sum3A_611 = arith.constant dense<0.000000e+00> : vector<8xf32>
    %reduce_sum3A_612 = vector.multi_reduction <add>, %div3A_610, %reduce_sum3A_611 [1] : vector<8x128xf32> to vector<8xf32>
    %broadcast_in_dim3A_613 = vector.shape_cast %reduce_sum3A_612 : vector<8xf32> to vector<8x1xf32>
    %reduce_sum3A_614 = arith.constant dense<0.000000e+00> : vector<1xf32>
    %reduce_sum3A_615 = vector.multi_reduction <add>, %broadcast_in_dim3A_613, %reduce_sum3A_614 [0] : vector<8x1xf32> to vector<1xf32>
    %broadcast_in_dim3A_616 = vector.shape_cast %reduce_sum3A_615 : vector<1xf32> to vector<1x1xf32>
    %sub3A_617 = vector.broadcast %broadcast_in_dim3A_600 : vector<1x1xf32> to vector<8x128xf32>
    %sub3A_618 = arith.subf %sub3A_617, %add3A_594 : vector<8x128xf32>
    %mul3A_619 = arith.constant 5.000000e-01 : f32
    %mul3A_620 = vector.broadcast %mul3A_619 : f32 to vector<8x128xf32>
    %mul3A_621 = arith.mulf %mul3A_620, %slice3A_574 : vector<8x128xf32>
    %sub3A_622 = arith.subf %sub3A_618, %mul3A_621 : vector<8x128xf32>
    %mul3A_623 = arith.mulf %slice3A_575, %sub3A_622 : vector<8x128xf32>
    %add3A_624 = vector.broadcast %broadcast_in_dim3A_600 : vector<1x1xf32> to vector<8x128xf32>
    %add3A_625 = arith.addf %add3A_624, %add3A_585 : vector<8x128xf32>
    %add3A_626 = vector.broadcast %broadcast_in_dim3A_600 : vector<1x1xf32> to vector<8x128xf32>
    %add3A_627 = arith.addf %add3A_626, %add3A_585 : vector<8x128xf32>
    %add3A_628 = arith.addf %add3A_627, %slice3A_573 : vector<8x128xf32>
    %mul3A_629 = arith.mulf %add3A_625, %add3A_628 : vector<8x128xf32>
    %max3A_630 = arith.constant 1.000000e+00 : f32
    %max3A_631 = vector.broadcast %max3A_630 : f32 to vector<8x128xf32>
    %max3A_632 = arith.maximumf %mul3A_629, %max3A_631 : vector<8x128xf32>
    %div3A_633 = arith.divf %mul3A_623, %max3A_632 : vector<8x128xf32>
    %reduce_sum3A_634 = arith.constant dense<0.000000e+00> : vector<8xf32>
    %reduce_sum3A_635 = vector.multi_reduction <add>, %div3A_633, %reduce_sum3A_634 [1] : vector<8x128xf32> to vector<8xf32>
    %broadcast_in_dim3A_636 = vector.shape_cast %reduce_sum3A_635 : vector<8xf32> to vector<8x1xf32>
    %reduce_sum3A_637 = arith.constant dense<0.000000e+00> : vector<1xf32>
    %reduce_sum3A_638 = vector.multi_reduction <add>, %broadcast_in_dim3A_636, %reduce_sum3A_637 [0] : vector<8x1xf32> to vector<1xf32>
    %broadcast_in_dim3A_639 = vector.shape_cast %reduce_sum3A_638 : vector<1xf32> to vector<1x1xf32>
    %add3A_640 = arith.addf %slice3A_573, %slice3A_574 : vector<8x128xf32>
    %gt3A_641 = arith.constant 0.000000e+00 : f32
    %gt3A_642 = vector.broadcast %gt3A_641 : f32 to vector<8x128xf32>
    %gt3A_643 = arith.cmpf ogt, %add3A_640, %gt3A_642 : vector<8x128xf32>
    %jit3A_644 = arith.constant 0.000000e+00 : f32
    %broadcast_in_dim3A_645 = vector.broadcast %jit3A_644 : f32 to vector<8x128xf32>
    %select_n3A_646 = arith.select %gt3A_643, %mul3A_231, %broadcast_in_dim3A_645 : vector<8x128xi1>, vector<8x128xf32>
    %reduce_max3A_647 = arith.constant dense<0xFF800000> : vector<8xf32>
    %reduce_max3A_648 = vector.multi_reduction <maximumf>, %select_n3A_646, %reduce_max3A_647 [1] : vector<8x128xf32> to vector<8xf32>
    %broadcast_in_dim3A_649 = vector.shape_cast %reduce_max3A_648 : vector<8xf32> to vector<8x1xf32>
    %reduce_max3A_650 = arith.constant dense<0xFF800000> : vector<1xf32>
    %reduce_max3A_651 = vector.multi_reduction <maximumf>, %broadcast_in_dim3A_649, %reduce_max3A_650 [0] : vector<8x1xf32> to vector<1xf32>
    %broadcast_in_dim3A_652 = vector.shape_cast %reduce_max3A_651 : vector<1xf32> to vector<1x1xf32>
    %gt3A_653 = arith.constant 0.000000e+00 : f32
    %gt3A_654 = vector.broadcast %gt3A_653 : f32 to vector<1x1xf32>
    %gt3A_655 = arith.cmpf ogt, %broadcast_in_dim3A_600, %gt3A_654 : vector<1x1xf32>
    %add3A_656 = arith.addf %broadcast_in_dim3A_616, %broadcast_in_dim3A_639 : vector<1x1xf32>
    %select_n3A_657 = arith.select %gt3A_655, %add3A_656, %broadcast_in_dim3A_652 : vector<1x1xi1>, vector<1x1xf32>
    %add3A_658 = arith.addf %add3A_572, %select_n3A_657 : vector<1x1xf32>
    %slice3A_659 = vector.extract_strided_slice %dot_general3A_210 {offsets = [80, 0], sizes = [8, 128], strides = [1, 1]} : vector<256x128xf32> to vector<8x128xf32>
    %slice3A_660 = vector.extract_strided_slice %dot_general3A_210 {offsets = [88, 0], sizes = [8, 128], strides = [1, 1]} : vector<256x128xf32> to vector<8x128xf32>
    %slice3A_661 = vector.extract_strided_slice %dot_general3A_210 {offsets = [208, 0], sizes = [8, 128], strides = [1, 1]} : vector<256x128xf32> to vector<8x128xf32>
    %slice3A_662 = vector.extract_strided_slice %dot_general3A_210 {offsets = [216, 0], sizes = [8, 128], strides = [1, 1]} : vector<256x128xf32> to vector<8x128xf32>
    %reduce_sum3A_663 = arith.constant dense<0.000000e+00> : vector<8xf32>
    %reduce_sum3A_664 = vector.multi_reduction <add>, %slice3A_659, %reduce_sum3A_663 [1] : vector<8x128xf32> to vector<8xf32>
    %broadcast_in_dim3A_665 = vector.shape_cast %reduce_sum3A_664 : vector<8xf32> to vector<8x1xf32>
    %dot_general3A_666 = arith.constant dense<0.000000e+00> : vector<8x1xf32>
    %dot_general3A_667 = tpu.matmul %convert_element_type3A_219, %broadcast_in_dim3A_665, %dot_general3A_666 {dimension_numbers = #tpu.dot_dimension_numbers<[1], [0], [0], [1], [0, 0, 1, 1], [], []>, transpose_lhs_hint = false} : vector<8x8xf32>, vector<8x1xf32>, vector<8x1xf32> -> vector<8x1xf32>
    %dot_general3A_668 = arith.constant dense<0.000000e+00> : vector<8x128xf32>
    %dot_general3A_669 = tpu.matmul %slice3A_659, %convert_element_type3A_214, %dot_general3A_668 {dimension_numbers = #tpu.dot_dimension_numbers<[1], [0], [0], [1], [0, 0, 1, 1], [], []>, transpose_lhs_hint = false} : vector<8x128xf32>, vector<128x128xf32>, vector<8x128xf32> -> vector<8x128xf32>
    %add3A_670 = vector.broadcast %dot_general3A_667 : vector<8x1xf32> to vector<8x128xf32>
    %add3A_671 = arith.addf %add3A_670, %dot_general3A_669 : vector<8x128xf32>
    %reduce_sum3A_672 = arith.constant dense<0.000000e+00> : vector<8xf32>
    %reduce_sum3A_673 = vector.multi_reduction <add>, %slice3A_660, %reduce_sum3A_672 [1] : vector<8x128xf32> to vector<8xf32>
    %broadcast_in_dim3A_674 = vector.shape_cast %reduce_sum3A_673 : vector<8xf32> to vector<8x1xf32>
    %dot_general3A_675 = arith.constant dense<0.000000e+00> : vector<8x1xf32>
    %dot_general3A_676 = tpu.matmul %convert_element_type3A_219, %broadcast_in_dim3A_674, %dot_general3A_675 {dimension_numbers = #tpu.dot_dimension_numbers<[1], [0], [0], [1], [0, 0, 1, 1], [], []>, transpose_lhs_hint = false} : vector<8x8xf32>, vector<8x1xf32>, vector<8x1xf32> -> vector<8x1xf32>
    %dot_general3A_677 = arith.constant dense<0.000000e+00> : vector<8x128xf32>
    %dot_general3A_678 = tpu.matmul %slice3A_660, %convert_element_type3A_214, %dot_general3A_677 {dimension_numbers = #tpu.dot_dimension_numbers<[1], [0], [0], [1], [0, 0, 1, 1], [], []>, transpose_lhs_hint = false} : vector<8x128xf32>, vector<128x128xf32>, vector<8x128xf32> -> vector<8x128xf32>
    %add3A_679 = vector.broadcast %dot_general3A_676 : vector<8x1xf32> to vector<8x128xf32>
    %add3A_680 = arith.addf %add3A_679, %dot_general3A_678 : vector<8x128xf32>
    %reduce_sum3A_681 = arith.constant dense<0.000000e+00> : vector<8xf32>
    %reduce_sum3A_682 = vector.multi_reduction <add>, %slice3A_660, %reduce_sum3A_681 [1] : vector<8x128xf32> to vector<8xf32>
    %broadcast_in_dim3A_683 = vector.shape_cast %reduce_sum3A_682 : vector<8xf32> to vector<8x1xf32>
    %reduce_sum3A_684 = arith.constant dense<0.000000e+00> : vector<1xf32>
    %reduce_sum3A_685 = vector.multi_reduction <add>, %broadcast_in_dim3A_683, %reduce_sum3A_684 [0] : vector<8x1xf32> to vector<1xf32>
    %broadcast_in_dim3A_686 = vector.shape_cast %reduce_sum3A_685 : vector<1xf32> to vector<1x1xf32>
    %add3A_687 = vector.broadcast %broadcast_in_dim3A_686 : vector<1x1xf32> to vector<8x128xf32>
    %add3A_688 = arith.addf %add3A_687, %add3A_671 : vector<8x128xf32>
    %mul3A_689 = arith.constant 5.000000e-01 : f32
    %mul3A_690 = vector.broadcast %mul3A_689 : f32 to vector<8x128xf32>
    %mul3A_691 = arith.mulf %mul3A_690, %slice3A_659 : vector<8x128xf32>
    %add3A_692 = arith.addf %add3A_688, %mul3A_691 : vector<8x128xf32>
    %max3A_693 = arith.constant 1.000000e+00 : f32
    %max3A_694 = vector.broadcast %max3A_693 : f32 to vector<8x128xf32>
    %max3A_695 = arith.maximumf %add3A_692, %max3A_694 : vector<8x128xf32>
    %div3A_696 = arith.divf %slice3A_662, %max3A_695 : vector<8x128xf32>
    %reduce_sum3A_697 = arith.constant dense<0.000000e+00> : vector<8xf32>
    %reduce_sum3A_698 = vector.multi_reduction <add>, %div3A_696, %reduce_sum3A_697 [1] : vector<8x128xf32> to vector<8xf32>
    %broadcast_in_dim3A_699 = vector.shape_cast %reduce_sum3A_698 : vector<8xf32> to vector<8x1xf32>
    %reduce_sum3A_700 = arith.constant dense<0.000000e+00> : vector<1xf32>
    %reduce_sum3A_701 = vector.multi_reduction <add>, %broadcast_in_dim3A_699, %reduce_sum3A_700 [0] : vector<8x1xf32> to vector<1xf32>
    %broadcast_in_dim3A_702 = vector.shape_cast %reduce_sum3A_701 : vector<1xf32> to vector<1x1xf32>
    %sub3A_703 = vector.broadcast %broadcast_in_dim3A_686 : vector<1x1xf32> to vector<8x128xf32>
    %sub3A_704 = arith.subf %sub3A_703, %add3A_680 : vector<8x128xf32>
    %mul3A_705 = arith.constant 5.000000e-01 : f32
    %mul3A_706 = vector.broadcast %mul3A_705 : f32 to vector<8x128xf32>
    %mul3A_707 = arith.mulf %mul3A_706, %slice3A_660 : vector<8x128xf32>
    %sub3A_708 = arith.subf %sub3A_704, %mul3A_707 : vector<8x128xf32>
    %mul3A_709 = arith.mulf %slice3A_661, %sub3A_708 : vector<8x128xf32>
    %add3A_710 = vector.broadcast %broadcast_in_dim3A_686 : vector<1x1xf32> to vector<8x128xf32>
    %add3A_711 = arith.addf %add3A_710, %add3A_671 : vector<8x128xf32>
    %add3A_712 = vector.broadcast %broadcast_in_dim3A_686 : vector<1x1xf32> to vector<8x128xf32>
    %add3A_713 = arith.addf %add3A_712, %add3A_671 : vector<8x128xf32>
    %add3A_714 = arith.addf %add3A_713, %slice3A_659 : vector<8x128xf32>
    %mul3A_715 = arith.mulf %add3A_711, %add3A_714 : vector<8x128xf32>
    %max3A_716 = arith.constant 1.000000e+00 : f32
    %max3A_717 = vector.broadcast %max3A_716 : f32 to vector<8x128xf32>
    %max3A_718 = arith.maximumf %mul3A_715, %max3A_717 : vector<8x128xf32>
    %div3A_719 = arith.divf %mul3A_709, %max3A_718 : vector<8x128xf32>
    %reduce_sum3A_720 = arith.constant dense<0.000000e+00> : vector<8xf32>
    %reduce_sum3A_721 = vector.multi_reduction <add>, %div3A_719, %reduce_sum3A_720 [1] : vector<8x128xf32> to vector<8xf32>
    %broadcast_in_dim3A_722 = vector.shape_cast %reduce_sum3A_721 : vector<8xf32> to vector<8x1xf32>
    %reduce_sum3A_723 = arith.constant dense<0.000000e+00> : vector<1xf32>
    %reduce_sum3A_724 = vector.multi_reduction <add>, %broadcast_in_dim3A_722, %reduce_sum3A_723 [0] : vector<8x1xf32> to vector<1xf32>
    %broadcast_in_dim3A_725 = vector.shape_cast %reduce_sum3A_724 : vector<1xf32> to vector<1x1xf32>
    %add3A_726 = arith.addf %slice3A_659, %slice3A_660 : vector<8x128xf32>
    %gt3A_727 = arith.constant 0.000000e+00 : f32
    %gt3A_728 = vector.broadcast %gt3A_727 : f32 to vector<8x128xf32>
    %gt3A_729 = arith.cmpf ogt, %add3A_726, %gt3A_728 : vector<8x128xf32>
    %jit3A_730 = arith.constant 0.000000e+00 : f32
    %broadcast_in_dim3A_731 = vector.broadcast %jit3A_730 : f32 to vector<8x128xf32>
    %select_n3A_732 = arith.select %gt3A_729, %mul3A_231, %broadcast_in_dim3A_731 : vector<8x128xi1>, vector<8x128xf32>
    %reduce_max3A_733 = arith.constant dense<0xFF800000> : vector<8xf32>
    %reduce_max3A_734 = vector.multi_reduction <maximumf>, %select_n3A_732, %reduce_max3A_733 [1] : vector<8x128xf32> to vector<8xf32>
    %broadcast_in_dim3A_735 = vector.shape_cast %reduce_max3A_734 : vector<8xf32> to vector<8x1xf32>
    %reduce_max3A_736 = arith.constant dense<0xFF800000> : vector<1xf32>
    %reduce_max3A_737 = vector.multi_reduction <maximumf>, %broadcast_in_dim3A_735, %reduce_max3A_736 [0] : vector<8x1xf32> to vector<1xf32>
    %broadcast_in_dim3A_738 = vector.shape_cast %reduce_max3A_737 : vector<1xf32> to vector<1x1xf32>
    %gt3A_739 = arith.constant 0.000000e+00 : f32
    %gt3A_740 = vector.broadcast %gt3A_739 : f32 to vector<1x1xf32>
    %gt3A_741 = arith.cmpf ogt, %broadcast_in_dim3A_686, %gt3A_740 : vector<1x1xf32>
    %add3A_742 = arith.addf %broadcast_in_dim3A_702, %broadcast_in_dim3A_725 : vector<1x1xf32>
    %select_n3A_743 = arith.select %gt3A_741, %add3A_742, %broadcast_in_dim3A_738 : vector<1x1xi1>, vector<1x1xf32>
    %add3A_744 = arith.addf %add3A_658, %select_n3A_743 : vector<1x1xf32>
    %slice3A_745 = vector.extract_strided_slice %dot_general3A_210 {offsets = [96, 0], sizes = [8, 128], strides = [1, 1]} : vector<256x128xf32> to vector<8x128xf32>
    %slice3A_746 = vector.extract_strided_slice %dot_general3A_210 {offsets = [104, 0], sizes = [8, 128], strides = [1, 1]} : vector<256x128xf32> to vector<8x128xf32>
    %slice3A_747 = vector.extract_strided_slice %dot_general3A_210 {offsets = [224, 0], sizes = [8, 128], strides = [1, 1]} : vector<256x128xf32> to vector<8x128xf32>
    %slice3A_748 = vector.extract_strided_slice %dot_general3A_210 {offsets = [232, 0], sizes = [8, 128], strides = [1, 1]} : vector<256x128xf32> to vector<8x128xf32>
    %reduce_sum3A_749 = arith.constant dense<0.000000e+00> : vector<8xf32>
    %reduce_sum3A_750 = vector.multi_reduction <add>, %slice3A_745, %reduce_sum3A_749 [1] : vector<8x128xf32> to vector<8xf32>
    %broadcast_in_dim3A_751 = vector.shape_cast %reduce_sum3A_750 : vector<8xf32> to vector<8x1xf32>
    %dot_general3A_752 = arith.constant dense<0.000000e+00> : vector<8x1xf32>
    %dot_general3A_753 = tpu.matmul %convert_element_type3A_219, %broadcast_in_dim3A_751, %dot_general3A_752 {dimension_numbers = #tpu.dot_dimension_numbers<[1], [0], [0], [1], [0, 0, 1, 1], [], []>, transpose_lhs_hint = false} : vector<8x8xf32>, vector<8x1xf32>, vector<8x1xf32> -> vector<8x1xf32>
    %dot_general3A_754 = arith.constant dense<0.000000e+00> : vector<8x128xf32>
    %dot_general3A_755 = tpu.matmul %slice3A_745, %convert_element_type3A_214, %dot_general3A_754 {dimension_numbers = #tpu.dot_dimension_numbers<[1], [0], [0], [1], [0, 0, 1, 1], [], []>, transpose_lhs_hint = false} : vector<8x128xf32>, vector<128x128xf32>, vector<8x128xf32> -> vector<8x128xf32>
    %add3A_756 = vector.broadcast %dot_general3A_753 : vector<8x1xf32> to vector<8x128xf32>
    %add3A_757 = arith.addf %add3A_756, %dot_general3A_755 : vector<8x128xf32>
    %reduce_sum3A_758 = arith.constant dense<0.000000e+00> : vector<8xf32>
    %reduce_sum3A_759 = vector.multi_reduction <add>, %slice3A_746, %reduce_sum3A_758 [1] : vector<8x128xf32> to vector<8xf32>
    %broadcast_in_dim3A_760 = vector.shape_cast %reduce_sum3A_759 : vector<8xf32> to vector<8x1xf32>
    %dot_general3A_761 = arith.constant dense<0.000000e+00> : vector<8x1xf32>
    %dot_general3A_762 = tpu.matmul %convert_element_type3A_219, %broadcast_in_dim3A_760, %dot_general3A_761 {dimension_numbers = #tpu.dot_dimension_numbers<[1], [0], [0], [1], [0, 0, 1, 1], [], []>, transpose_lhs_hint = false} : vector<8x8xf32>, vector<8x1xf32>, vector<8x1xf32> -> vector<8x1xf32>
    %dot_general3A_763 = arith.constant dense<0.000000e+00> : vector<8x128xf32>
    %dot_general3A_764 = tpu.matmul %slice3A_746, %convert_element_type3A_214, %dot_general3A_763 {dimension_numbers = #tpu.dot_dimension_numbers<[1], [0], [0], [1], [0, 0, 1, 1], [], []>, transpose_lhs_hint = false} : vector<8x128xf32>, vector<128x128xf32>, vector<8x128xf32> -> vector<8x128xf32>
    %add3A_765 = vector.broadcast %dot_general3A_762 : vector<8x1xf32> to vector<8x128xf32>
    %add3A_766 = arith.addf %add3A_765, %dot_general3A_764 : vector<8x128xf32>
    %reduce_sum3A_767 = arith.constant dense<0.000000e+00> : vector<8xf32>
    %reduce_sum3A_768 = vector.multi_reduction <add>, %slice3A_746, %reduce_sum3A_767 [1] : vector<8x128xf32> to vector<8xf32>
    %broadcast_in_dim3A_769 = vector.shape_cast %reduce_sum3A_768 : vector<8xf32> to vector<8x1xf32>
    %reduce_sum3A_770 = arith.constant dense<0.000000e+00> : vector<1xf32>
    %reduce_sum3A_771 = vector.multi_reduction <add>, %broadcast_in_dim3A_769, %reduce_sum3A_770 [0] : vector<8x1xf32> to vector<1xf32>
    %broadcast_in_dim3A_772 = vector.shape_cast %reduce_sum3A_771 : vector<1xf32> to vector<1x1xf32>
    %add3A_773 = vector.broadcast %broadcast_in_dim3A_772 : vector<1x1xf32> to vector<8x128xf32>
    %add3A_774 = arith.addf %add3A_773, %add3A_757 : vector<8x128xf32>
    %mul3A_775 = arith.constant 5.000000e-01 : f32
    %mul3A_776 = vector.broadcast %mul3A_775 : f32 to vector<8x128xf32>
    %mul3A_777 = arith.mulf %mul3A_776, %slice3A_745 : vector<8x128xf32>
    %add3A_778 = arith.addf %add3A_774, %mul3A_777 : vector<8x128xf32>
    %max3A_779 = arith.constant 1.000000e+00 : f32
    %max3A_780 = vector.broadcast %max3A_779 : f32 to vector<8x128xf32>
    %max3A_781 = arith.maximumf %add3A_778, %max3A_780 : vector<8x128xf32>
    %div3A_782 = arith.divf %slice3A_748, %max3A_781 : vector<8x128xf32>
    %reduce_sum3A_783 = arith.constant dense<0.000000e+00> : vector<8xf32>
    %reduce_sum3A_784 = vector.multi_reduction <add>, %div3A_782, %reduce_sum3A_783 [1] : vector<8x128xf32> to vector<8xf32>
    %broadcast_in_dim3A_785 = vector.shape_cast %reduce_sum3A_784 : vector<8xf32> to vector<8x1xf32>
    %reduce_sum3A_786 = arith.constant dense<0.000000e+00> : vector<1xf32>
    %reduce_sum3A_787 = vector.multi_reduction <add>, %broadcast_in_dim3A_785, %reduce_sum3A_786 [0] : vector<8x1xf32> to vector<1xf32>
    %broadcast_in_dim3A_788 = vector.shape_cast %reduce_sum3A_787 : vector<1xf32> to vector<1x1xf32>
    %sub3A_789 = vector.broadcast %broadcast_in_dim3A_772 : vector<1x1xf32> to vector<8x128xf32>
    %sub3A_790 = arith.subf %sub3A_789, %add3A_766 : vector<8x128xf32>
    %mul3A_791 = arith.constant 5.000000e-01 : f32
    %mul3A_792 = vector.broadcast %mul3A_791 : f32 to vector<8x128xf32>
    %mul3A_793 = arith.mulf %mul3A_792, %slice3A_746 : vector<8x128xf32>
    %sub3A_794 = arith.subf %sub3A_790, %mul3A_793 : vector<8x128xf32>
    %mul3A_795 = arith.mulf %slice3A_747, %sub3A_794 : vector<8x128xf32>
    %add3A_796 = vector.broadcast %broadcast_in_dim3A_772 : vector<1x1xf32> to vector<8x128xf32>
    %add3A_797 = arith.addf %add3A_796, %add3A_757 : vector<8x128xf32>
    %add3A_798 = vector.broadcast %broadcast_in_dim3A_772 : vector<1x1xf32> to vector<8x128xf32>
    %add3A_799 = arith.addf %add3A_798, %add3A_757 : vector<8x128xf32>
    %add3A_800 = arith.addf %add3A_799, %slice3A_745 : vector<8x128xf32>
    %mul3A_801 = arith.mulf %add3A_797, %add3A_800 : vector<8x128xf32>
    %max3A_802 = arith.constant 1.000000e+00 : f32
    %max3A_803 = vector.broadcast %max3A_802 : f32 to vector<8x128xf32>
    %max3A_804 = arith.maximumf %mul3A_801, %max3A_803 : vector<8x128xf32>
    %div3A_805 = arith.divf %mul3A_795, %max3A_804 : vector<8x128xf32>
    %reduce_sum3A_806 = arith.constant dense<0.000000e+00> : vector<8xf32>
    %reduce_sum3A_807 = vector.multi_reduction <add>, %div3A_805, %reduce_sum3A_806 [1] : vector<8x128xf32> to vector<8xf32>
    %broadcast_in_dim3A_808 = vector.shape_cast %reduce_sum3A_807 : vector<8xf32> to vector<8x1xf32>
    %reduce_sum3A_809 = arith.constant dense<0.000000e+00> : vector<1xf32>
    %reduce_sum3A_810 = vector.multi_reduction <add>, %broadcast_in_dim3A_808, %reduce_sum3A_809 [0] : vector<8x1xf32> to vector<1xf32>
    %broadcast_in_dim3A_811 = vector.shape_cast %reduce_sum3A_810 : vector<1xf32> to vector<1x1xf32>
    %add3A_812 = arith.addf %slice3A_745, %slice3A_746 : vector<8x128xf32>
    %gt3A_813 = arith.constant 0.000000e+00 : f32
    %gt3A_814 = vector.broadcast %gt3A_813 : f32 to vector<8x128xf32>
    %gt3A_815 = arith.cmpf ogt, %add3A_812, %gt3A_814 : vector<8x128xf32>
    %jit3A_816 = arith.constant 0.000000e+00 : f32
    %broadcast_in_dim3A_817 = vector.broadcast %jit3A_816 : f32 to vector<8x128xf32>
    %select_n3A_818 = arith.select %gt3A_815, %mul3A_231, %broadcast_in_dim3A_817 : vector<8x128xi1>, vector<8x128xf32>
    %reduce_max3A_819 = arith.constant dense<0xFF800000> : vector<8xf32>
    %reduce_max3A_820 = vector.multi_reduction <maximumf>, %select_n3A_818, %reduce_max3A_819 [1] : vector<8x128xf32> to vector<8xf32>
    %broadcast_in_dim3A_821 = vector.shape_cast %reduce_max3A_820 : vector<8xf32> to vector<8x1xf32>
    %reduce_max3A_822 = arith.constant dense<0xFF800000> : vector<1xf32>
    %reduce_max3A_823 = vector.multi_reduction <maximumf>, %broadcast_in_dim3A_821, %reduce_max3A_822 [0] : vector<8x1xf32> to vector<1xf32>
    %broadcast_in_dim3A_824 = vector.shape_cast %reduce_max3A_823 : vector<1xf32> to vector<1x1xf32>
    %gt3A_825 = arith.constant 0.000000e+00 : f32
    %gt3A_826 = vector.broadcast %gt3A_825 : f32 to vector<1x1xf32>
    %gt3A_827 = arith.cmpf ogt, %broadcast_in_dim3A_772, %gt3A_826 : vector<1x1xf32>
    %add3A_828 = arith.addf %broadcast_in_dim3A_788, %broadcast_in_dim3A_811 : vector<1x1xf32>
    %select_n3A_829 = arith.select %gt3A_827, %add3A_828, %broadcast_in_dim3A_824 : vector<1x1xi1>, vector<1x1xf32>
    %add3A_830 = arith.addf %add3A_744, %select_n3A_829 : vector<1x1xf32>
    %slice3A_831 = vector.extract_strided_slice %dot_general3A_210 {offsets = [112, 0], sizes = [8, 128], strides = [1, 1]} : vector<256x128xf32> to vector<8x128xf32>
    %slice3A_832 = vector.extract_strided_slice %dot_general3A_210 {offsets = [120, 0], sizes = [8, 128], strides = [1, 1]} : vector<256x128xf32> to vector<8x128xf32>
    %slice3A_833 = vector.extract_strided_slice %dot_general3A_210 {offsets = [240, 0], sizes = [8, 128], strides = [1, 1]} : vector<256x128xf32> to vector<8x128xf32>
    %slice3A_834 = vector.extract_strided_slice %dot_general3A_210 {offsets = [248, 0], sizes = [8, 128], strides = [1, 1]} : vector<256x128xf32> to vector<8x128xf32>
    %reduce_sum3A_835 = arith.constant dense<0.000000e+00> : vector<8xf32>
    %reduce_sum3A_836 = vector.multi_reduction <add>, %slice3A_831, %reduce_sum3A_835 [1] : vector<8x128xf32> to vector<8xf32>
    %broadcast_in_dim3A_837 = vector.shape_cast %reduce_sum3A_836 : vector<8xf32> to vector<8x1xf32>
    %dot_general3A_838 = arith.constant dense<0.000000e+00> : vector<8x1xf32>
    %dot_general3A_839 = tpu.matmul %convert_element_type3A_219, %broadcast_in_dim3A_837, %dot_general3A_838 {dimension_numbers = #tpu.dot_dimension_numbers<[1], [0], [0], [1], [0, 0, 1, 1], [], []>, transpose_lhs_hint = false} : vector<8x8xf32>, vector<8x1xf32>, vector<8x1xf32> -> vector<8x1xf32>
    %dot_general3A_840 = arith.constant dense<0.000000e+00> : vector<8x128xf32>
    %dot_general3A_841 = tpu.matmul %slice3A_831, %convert_element_type3A_214, %dot_general3A_840 {dimension_numbers = #tpu.dot_dimension_numbers<[1], [0], [0], [1], [0, 0, 1, 1], [], []>, transpose_lhs_hint = false} : vector<8x128xf32>, vector<128x128xf32>, vector<8x128xf32> -> vector<8x128xf32>
    %add3A_842 = vector.broadcast %dot_general3A_839 : vector<8x1xf32> to vector<8x128xf32>
    %add3A_843 = arith.addf %add3A_842, %dot_general3A_841 : vector<8x128xf32>
    %reduce_sum3A_844 = arith.constant dense<0.000000e+00> : vector<8xf32>
    %reduce_sum3A_845 = vector.multi_reduction <add>, %slice3A_832, %reduce_sum3A_844 [1] : vector<8x128xf32> to vector<8xf32>
    %broadcast_in_dim3A_846 = vector.shape_cast %reduce_sum3A_845 : vector<8xf32> to vector<8x1xf32>
    %dot_general3A_847 = arith.constant dense<0.000000e+00> : vector<8x1xf32>
    %dot_general3A_848 = tpu.matmul %convert_element_type3A_219, %broadcast_in_dim3A_846, %dot_general3A_847 {dimension_numbers = #tpu.dot_dimension_numbers<[1], [0], [0], [1], [0, 0, 1, 1], [], []>, transpose_lhs_hint = false} : vector<8x8xf32>, vector<8x1xf32>, vector<8x1xf32> -> vector<8x1xf32>
    %dot_general3A_849 = arith.constant dense<0.000000e+00> : vector<8x128xf32>
    %dot_general3A_850 = tpu.matmul %slice3A_832, %convert_element_type3A_214, %dot_general3A_849 {dimension_numbers = #tpu.dot_dimension_numbers<[1], [0], [0], [1], [0, 0, 1, 1], [], []>, transpose_lhs_hint = false} : vector<8x128xf32>, vector<128x128xf32>, vector<8x128xf32> -> vector<8x128xf32>
    %add3A_851 = vector.broadcast %dot_general3A_848 : vector<8x1xf32> to vector<8x128xf32>
    %add3A_852 = arith.addf %add3A_851, %dot_general3A_850 : vector<8x128xf32>
    %reduce_sum3A_853 = arith.constant dense<0.000000e+00> : vector<8xf32>
    %reduce_sum3A_854 = vector.multi_reduction <add>, %slice3A_832, %reduce_sum3A_853 [1] : vector<8x128xf32> to vector<8xf32>
    %broadcast_in_dim3A_855 = vector.shape_cast %reduce_sum3A_854 : vector<8xf32> to vector<8x1xf32>
    %reduce_sum3A_856 = arith.constant dense<0.000000e+00> : vector<1xf32>
    %reduce_sum3A_857 = vector.multi_reduction <add>, %broadcast_in_dim3A_855, %reduce_sum3A_856 [0] : vector<8x1xf32> to vector<1xf32>
    %broadcast_in_dim3A_858 = vector.shape_cast %reduce_sum3A_857 : vector<1xf32> to vector<1x1xf32>
    %add3A_859 = vector.broadcast %broadcast_in_dim3A_858 : vector<1x1xf32> to vector<8x128xf32>
    %add3A_860 = arith.addf %add3A_859, %add3A_843 : vector<8x128xf32>
    %mul3A_861 = arith.constant 5.000000e-01 : f32
    %mul3A_862 = vector.broadcast %mul3A_861 : f32 to vector<8x128xf32>
    %mul3A_863 = arith.mulf %mul3A_862, %slice3A_831 : vector<8x128xf32>
    %add3A_864 = arith.addf %add3A_860, %mul3A_863 : vector<8x128xf32>
    %max3A_865 = arith.constant 1.000000e+00 : f32
    %max3A_866 = vector.broadcast %max3A_865 : f32 to vector<8x128xf32>
    %max3A_867 = arith.maximumf %add3A_864, %max3A_866 : vector<8x128xf32>
    %div3A_868 = arith.divf %slice3A_834, %max3A_867 : vector<8x128xf32>
    %reduce_sum3A_869 = arith.constant dense<0.000000e+00> : vector<8xf32>
    %reduce_sum3A_870 = vector.multi_reduction <add>, %div3A_868, %reduce_sum3A_869 [1] : vector<8x128xf32> to vector<8xf32>
    %broadcast_in_dim3A_871 = vector.shape_cast %reduce_sum3A_870 : vector<8xf32> to vector<8x1xf32>
    %reduce_sum3A_872 = arith.constant dense<0.000000e+00> : vector<1xf32>
    %reduce_sum3A_873 = vector.multi_reduction <add>, %broadcast_in_dim3A_871, %reduce_sum3A_872 [0] : vector<8x1xf32> to vector<1xf32>
    %broadcast_in_dim3A_874 = vector.shape_cast %reduce_sum3A_873 : vector<1xf32> to vector<1x1xf32>
    %sub3A_875 = vector.broadcast %broadcast_in_dim3A_858 : vector<1x1xf32> to vector<8x128xf32>
    %sub3A_876 = arith.subf %sub3A_875, %add3A_852 : vector<8x128xf32>
    %mul3A_877 = arith.constant 5.000000e-01 : f32
    %mul3A_878 = vector.broadcast %mul3A_877 : f32 to vector<8x128xf32>
    %mul3A_879 = arith.mulf %mul3A_878, %slice3A_832 : vector<8x128xf32>
    %sub3A_880 = arith.subf %sub3A_876, %mul3A_879 : vector<8x128xf32>
    %mul3A_881 = arith.mulf %slice3A_833, %sub3A_880 : vector<8x128xf32>
    %add3A_882 = vector.broadcast %broadcast_in_dim3A_858 : vector<1x1xf32> to vector<8x128xf32>
    %add3A_883 = arith.addf %add3A_882, %add3A_843 : vector<8x128xf32>
    %add3A_884 = vector.broadcast %broadcast_in_dim3A_858 : vector<1x1xf32> to vector<8x128xf32>
    %add3A_885 = arith.addf %add3A_884, %add3A_843 : vector<8x128xf32>
    %add3A_886 = arith.addf %add3A_885, %slice3A_831 : vector<8x128xf32>
    %mul3A_887 = arith.mulf %add3A_883, %add3A_886 : vector<8x128xf32>
    %max3A_888 = arith.constant 1.000000e+00 : f32
    %max3A_889 = vector.broadcast %max3A_888 : f32 to vector<8x128xf32>
    %max3A_890 = arith.maximumf %mul3A_887, %max3A_889 : vector<8x128xf32>
    %div3A_891 = arith.divf %mul3A_881, %max3A_890 : vector<8x128xf32>
    %reduce_sum3A_892 = arith.constant dense<0.000000e+00> : vector<8xf32>
    %reduce_sum3A_893 = vector.multi_reduction <add>, %div3A_891, %reduce_sum3A_892 [1] : vector<8x128xf32> to vector<8xf32>
    %broadcast_in_dim3A_894 = vector.shape_cast %reduce_sum3A_893 : vector<8xf32> to vector<8x1xf32>
    %reduce_sum3A_895 = arith.constant dense<0.000000e+00> : vector<1xf32>
    %reduce_sum3A_896 = vector.multi_reduction <add>, %broadcast_in_dim3A_894, %reduce_sum3A_895 [0] : vector<8x1xf32> to vector<1xf32>
    %broadcast_in_dim3A_897 = vector.shape_cast %reduce_sum3A_896 : vector<1xf32> to vector<1x1xf32>
    %add3A_898 = arith.addf %slice3A_831, %slice3A_832 : vector<8x128xf32>
    %gt3A_899 = arith.constant 0.000000e+00 : f32
    %gt3A_900 = vector.broadcast %gt3A_899 : f32 to vector<8x128xf32>
    %gt3A_901 = arith.cmpf ogt, %add3A_898, %gt3A_900 : vector<8x128xf32>
    %jit3A_902 = arith.constant 0.000000e+00 : f32
    %broadcast_in_dim3A_903 = vector.broadcast %jit3A_902 : f32 to vector<8x128xf32>
    %select_n3A_904 = arith.select %gt3A_901, %mul3A_231, %broadcast_in_dim3A_903 : vector<8x128xi1>, vector<8x128xf32>
    %reduce_max3A_905 = arith.constant dense<0xFF800000> : vector<8xf32>
    %reduce_max3A_906 = vector.multi_reduction <maximumf>, %select_n3A_904, %reduce_max3A_905 [1] : vector<8x128xf32> to vector<8xf32>
    %broadcast_in_dim3A_907 = vector.shape_cast %reduce_max3A_906 : vector<8xf32> to vector<8x1xf32>
    %reduce_max3A_908 = arith.constant dense<0xFF800000> : vector<1xf32>
    %reduce_max3A_909 = vector.multi_reduction <maximumf>, %broadcast_in_dim3A_907, %reduce_max3A_908 [0] : vector<8x1xf32> to vector<1xf32>
    %broadcast_in_dim3A_910 = vector.shape_cast %reduce_max3A_909 : vector<1xf32> to vector<1x1xf32>
    %gt3A_911 = arith.constant 0.000000e+00 : f32
    %gt3A_912 = vector.broadcast %gt3A_911 : f32 to vector<1x1xf32>
    %gt3A_913 = arith.cmpf ogt, %broadcast_in_dim3A_858, %gt3A_912 : vector<1x1xf32>
    %add3A_914 = arith.addf %broadcast_in_dim3A_874, %broadcast_in_dim3A_897 : vector<1x1xf32>
    %select_n3A_915 = arith.select %gt3A_913, %add3A_914, %broadcast_in_dim3A_910 : vector<1x1xi1>, vector<1x1xf32>
    %add3A_916 = arith.addf %add3A_830, %select_n3A_915 : vector<1x1xf32>
    %mul3A_917 = arith.constant 1.250000e-01 : f32
    %mul3A_918 = vector.broadcast %mul3A_917 : f32 to vector<1x1xf32>
    %mul3A_919 = arith.mulf %add3A_916, %mul3A_918 : vector<1x1xf32>
    %swap3A = arith.constant 0 : index
    %swap3A_920 = arith.constant 0 : index
    %swap3A_921 = vector.load %arg1[%swap3A, %swap3A_920] : memref<1x1xf32, #tpu.memory_space<vmem>>, vector<1x1xf32>
    tpu.vector_store %arg1[%swap3A, %swap3A_920], %mul3A_919 {strides = array<i32>} : memref<1x1xf32, #tpu.memory_space<vmem>>, vector<1x1xf32>,
    return
  }
}

</mosaic_0001>

<sc_bundles>
// kernel: kernel.5.cloned.1.call-start
scs
__scs_entry_jumppad:
0x0: {  	(pc) =	sbr.rel $0x88, $3  }
0x1: {  	(tag) =	ssettag $0x0;
	lr =	simm.s32 $0x1  }
0x2: {  	[smem:$0x3F9F] =	sst lr;
	_ =	strace $0xD0000000  }
0x3: {  	_ = 	snop  }
0x4: {  	_ = 	snop  }
0x5: {  	_ = 	snop  }
0x6: {  	_ = 	snop  }
0x7: {  	_ = 	snop  }
__scs_overlays_trampoline_lowered:
0x8: {  	[smem:$0x3FAE] =	sst s0  }
0x9: {  	[smem:$0x3FAF] =	sst s1  }
0xa: {  	[smem:$0x3FB0] =	sst s2  }
0xb: {  	[smem:$0x3FB1] =	sst s3  }
0xc: {  	[smem:$0x3FB2] =	sst s4  }
0xd: {  	[smem:$0x3FB3] =	sst s5  }
0xe: {  	[smem:$0x3FB4] =	sst s6  }
0xf: {  	[smem:$0x3FB5] =	sst s7  }
0x10: {  	[smem:$0x3FB6] =	sst s8  }
0x11: {  	[smem:$0x3FB7] =	sst s9;
	s0 =	simm.s32 @!p0 $0x0  }
0x12: {  	s1 =	sld [smem:$0x3F9D];
	s0 =	simm.s32 @p0 $0x1  }
0x13: {  	[smem:$0x3FB8] =	sst s0;
	s0 =	simm.s32 @!p1 $0x0  }
0x14: {  	s2 =	sld [smem:$0x3F9C];
	s0 =	simm.s32 @p1 $0x1  }
0x15: {  	[smem:$0x3FB9] =	sst s0;
	s0 =	simm.s32 @!p2 $0x0  }
0x16: {  	s3 =	sld [smem:$0x3FDB];
	s0 =	simm.s32 @p2 $0x1  }
0x17: {  	s4 =	simm.s32 $0x1BF5;
	[smem:$0x3FBB] =	sst s0  }
0x18: {  	s0 =	sld [smem:$0x3F9E];
	_ =	swait.ge [sflag:s4], $0x0  }
0x19: {  	s7 =	sld [smem:$0x3F9F]  }
0x1a: {  	s8 =	sadd.s32 $0xFFFFE003, lr  }
0x1b: {  	s9 =	sadd.s32 $0xFFFFFEF7, lr;
	s5 =	simm.s32 $0xFFFFFFFF;
	p2 =	slt.u32 s8, $0xFFFFF086  }
0x1c: {  	p1 =	slt.u32 s9, $0xF7A;
	s5 =	simm.s32 @!p2 $0x0  }
0x1d: {  	s5 =	simm.s32 @p1 $0x1;
	p0 =	seq.s32 s7, s2  }
0x1e: {  	s7 =	smul.u32 @!p0 $0xF7A, s2;
	p2 =	seq.s32 @!p0 s5, $0x0  }
0x1f: {  	s9 =	smul.u32 $0xF7A, s1;
	s8 =	simm.s32 @!p0 $0x1BF5;
	p2 =	por !p2, p0  }
0x20: {  	[sflag:s8] =	ssyncset.s32 @!p0 $0xFFFFF086;
	s6 =	sadd.s32 @!p0 s3, s7;
	s7 =	simm.s32 @!p0 $0x108  }
0x21: {  	s3 =	sadd.s32 s3, s9;
	s6 =	sadd.s32 @!p0 $0x88, s6;
	s7 =	simm.s32 @p2 $0x1082  }
0x22: {  	[simem:s7], [sflag:s8] =	dma.local @!p0 [hbm:s6], $0xF7A  }
0x23: {  	s9 =	sor.u32 $0xD0000000, s2;
	s6 =	simm.s32 $0x108;
	_ =	swait.ge @!p0 [sflag:s8], $0x0  }
0x24: {  	s3 =	sadd.s32 $0x88, s3;
	s6 =	simm.s32 @!p1 $0x1082;
	[sflag:s4] =	ssyncset.s32 $0xFFFFF086  }
0x25: {  	[simem:s6], [sflag:s4] =	dma.local [hbm:s3], $0xF7A  }
0x26: {  	[smem:$0x3F9F] =	sst s1;
	(tag) =	ssettag s2;
	_ =	strace s9  }
0x27: {  	s1 =	sld [smem:$0x3FAF]  }
0x28: {  	s2 =	sld [smem:$0x3FB0]  }
0x29: {  	s4 =	sld [smem:$0x3FB2]  }
0x2a: {  	p0 =	seq.s32 s5, $0x0;
	s5 =	sld [smem:$0x3FB3]  }
0x2b: {  	s6 =	sld [smem:$0x3FB4]  }
0x2c: {  	s7 =	sld [smem:$0x3FB5]  }
0x2d: {  	s3 =	simm.s32 $0x108;
	s8 =	sld [smem:$0x3FB6]  }
0x2e: {  	s3 =	simm.s32 @!p0 $0x1082;
	s9 =	sld [smem:$0x3FB7]  }
0x2f: {  	lr =	sadd.s32 s0, s3;
	s0 =	sld [smem:$0x3FAE]  }
0x30: {  	s3 =	sld [smem:$0x3FB1]  }
0x31: {  	[smem:$0x3FBA] =	sst s10  }
0x32: {  	s10 =	sld [smem:$0x3FB8];
	_ =	sdelay $0x3  }
0x33: {  	p0 =	seq.s32 s10, $0x1;
	s10 =	sld [smem:$0x3FBA];
	_ =	sdelay $0x3  }
0x34: {  	[smem:$0x3FBA] =	sst s10  }
0x35: {  	s10 =	sld [smem:$0x3FB9];
	_ =	sdelay $0x3  }
0x36: {  	p1 =	seq.s32 s10, $0x1;
	s10 =	sld [smem:$0x3FBA];
	_ =	sdelay $0x3  }
0x37: {  	[smem:$0x3FBA] =	sst s10  }
0x38: {  	s10 =	sld [smem:$0x3FBB]  }
0x39: {  	_ = 	snop;
	(pc) =	sbr.ind lr, $3  }
0x3a: {  	_ = 	snop  }
0x3b: {  	_ = 	snop  }
0x3c: {  	p2 =	seq.s32 s10, $0x1;
	s10 =	sld [smem:$0x3FBA]  }
0x3d: {  	_ =	shalt  }
0x3e: {  	_ =	shalt  }
0x3f: {  	_ =	shalt  }
0x40: {  	_ =	shalt  }
0x41: {  	_ =	shalt  }
0x42: {  	_ =	shalt  }
0x43: {  	_ =	shalt  }
0x44: {  	_ =	shalt  }
0x45: {  	_ =	shalt  }
0x46: {  	_ =	shalt  }
0x47: {  	_ =	shalt  }
0x48: {  	_ =	shalt  }
0x49: {  	_ =	shalt  }
0x4a: {  	_ =	shalt  }
0x4b: {  	_ =	shalt  }
0x4c: {  	_ =	shalt  }
0x4d: {  	_ =	shalt  }
0x4e: {  	_ =	shalt  }
0x4f: {  	_ =	shalt  }
0x50: {  	_ =	shalt  }
0x51: {  	_ =	shalt  }
0x52: {  	_ =	shalt  }
0x53: {  	_ =	shalt  }
0x54: {  	_ =	shalt  }
0x55: {  	_ =	shalt  }
0x56: {  	_ =	shalt  }
0x57: {  	_ =	shalt  }
0x58: {  	_ =	shalt  }
0x59: {  	_ =	shalt  }
0x5a: {  	_ =	shalt  }
0x5b: {  	_ =	shalt  }
0x5c: {  	_ =	shalt  }
0x5d: {  	_ =	shalt  }
0x5e: {  	_ =	shalt  }
0x5f: {  	_ =	shalt  }
0x60: {  	_ =	shalt  }
0x61: {  	_ =	shalt  }
0x62: {  	_ =	shalt  }
0x63: {  	_ =	shalt  }
0x64: {  	_ =	shalt  }
0x65: {  	_ =	shalt  }
0x66: {  	_ =	shalt  }
0x67: {  	_ =	shalt  }
0x68: {  	_ =	shalt  }
0x69: {  	_ =	shalt  }
0x6a: {  	_ =	shalt  }
0x6b: {  	_ =	shalt  }
0x6c: {  	_ =	shalt  }
0x6d: {  	_ =	shalt  }
0x6e: {  	_ =	shalt  }
0x6f: {  	_ =	shalt  }
0x70: {  	_ =	shalt  }
0x71: {  	_ =	shalt  }
0x72: {  	_ =	shalt  }
0x73: {  	_ =	shalt  }
0x74: {  	_ =	shalt  }
0x75: {  	_ =	shalt  }
0x76: {  	_ =	shalt  }
0x77: {  	_ =	shalt  }
0x78: {  	_ =	shalt  }
0x79: {  	_ =	shalt  }
0x7a: {  	_ =	shalt  }
0x7b: {  	_ =	shalt  }
0x7c: {  	_ =	shalt  }
0x7d: {  	_ =	shalt  }
0x7e: {  	_ =	shalt  }
0x7f: {  	_ =	shalt  }
0x80: {  	_ =	shalt  }
0x81: {  	_ =	shalt  }
0x82: {  	_ =	shalt  }
0x83: {  	_ =	shalt  }
0x84: {  	_ =	shalt  }
0x85: {  	_ =	shalt  }
0x86: {  	_ =	shalt  }
0x87: {  	_ =	shalt  }
.Lfunc_end0:
.L_simem_size_0:
called_computation_lowered:
.L_overlay_start_0:
0x88: {  	s2 =	sld [smem:$0x3FD9]  }
0x89: {  	s3 =	sld [smem:$0x3FFE];
	_ =	sdelay $0x1  }
0x8a: {  	s1 =	srdreg.scid  }
0x8b: {  	s0 =	sand.u32 $0x1, s1  }
0x8c: {  	s16 =	sshll.u32 s0, $0xA;
	s2 =	sadd.s32 s3, s2  }
0x8d: {  	s2 =	sadd.s32 s2, s16  }
0x8e: {  	[smem:$0x3FC6] =	sst s2  }
0x8f: {  	_ = 	snop  }
0x90: {  	(tm) =	ssettm $0x1  }
0x91: {  	s17 =	sld [smem:$0x3FFB];
	_ =	sdelay $0x3  }
0x92: {  	_ =	strace s17  }
0x93: {  	s2 =	sld [smem:$0x3FFC];
	_ =	sdelay $0x3  }
0x94: {  	_ =	strace s2  }
0x95: {  	s2 =	sld [smem:$0x3FFD];
	_ =	sdelay $0x3  }
0x96: {  	_ =	strace s2  }
0x97: {  	_ =	strace $0x8FFFFFFF  }
0x98: {  	s18 =	sld [smem:$0x3FDB];
	_ =	sdelay $0x1  }
0x99: {  	s19 =	simm.s32 $_scs_section_size  }
0x9a: {  	s4 =	simm.s32 $_size__tile_overlayer_lowered;
	s5 =	simm.s32 $_tile_overlayer_lowered  }
0x9b: {  	s22 =	simm.s32 $0x1BFF;
	s21 =	sshll.u32 s5, $0x1;
	s2 =	sadd.s32 s19, s18  }
0x9c: {  	s6 =	simm.s32 $0x0;
	s20 =	sshll.u32 s4, $0x1;
	s4 =	sadd.s32 s21, s2  }
0x9d: {  	[timem:s6], [sflag:s22] =	dma.local [hbm:s4], s20  }
0x9e: {  	_ =	swait.ge [sflag:s22], s20  }
0x9f: {  	s3 =	ssub.s32 $0x0, s20;
	[sflag:s22] =	ssyncset.done $0x0  }
0xa0: {  	[sflag:s22] =	ssyncadd.s32 s3;
	_ =	sdelay $0x1  }
0xa1: {  	s23 =	simm.s32 $0x1B8B  }
0xa2: {  	_ =	swait.ge [sflag:s23], $0x1  }
0xa3: {  	[sflag:s23] =	ssyncset.done $0x0  }
0xa4: {  	s25 =	simm.s32 $0x1B8E;
	s24 =	sld [smem:$0x3FFE];
	[sflag:s23] =	ssyncadd.s32 $0xFFFFFFFF  }
0xa5: {  	s26 =	simm.s32 $execute0_lowered;
	[smem:$0x3FD2] =	sst s25  }
0xa6: {  	s4 =	sshll.u32 s26, $0x1;
	_ =	strace $0x80000046;
	[dreg:$0x1] =	wrdreg $0xFFFFFFFF  }
0xa7: {  	s28 =	simm.s32 $_size_execute0_lowered;
	s2 =	sadd.s32 s2, s4;
	[dreg:$0x0] =	wrdreg $0x0  }
0xa8: {  	s4 =	sshll.u32 s28, $0x1;
	[dreg:$0x2] =	wrdreg s2  }
0xa9: {  	[dreg:$0x3] =	wrdreg s4  }
0xaa: {  	[dreg:$0x4] =	wrdreg $0xC0  }
0xab: {  	_ =	task [dreg:s6], $0x5FFFF  }
0xac: {  	[dreg:$0x1] =	wrdreg $0xFFFFFFFF  }
0xad: {  	[dreg:$0x0] =	wrdreg $0x60  }
0xae: {  	[dreg:$0x2] =	wrdreg s24  }
0xaf: {  	[dreg:$0x3] =	wrdreg $0x9  }
0xb0: {  	_ =	task.clear_ibuf [dreg:s6], $0x4FFFF;
	_ =	strace $0x90000046  }
0xb1: {  	s29 =	simm.s32 $0x9;
	_ =	strace $0x80000048  }
0xb2: {  	_ =	swait.ge [sflag:s29], $0x1  }
0xb3: {  	[sflag:s29] =	ssyncadd.s32 $0xFFFFFFFF  }
0xb4: {  	_ =	strace $0x90000048  }
0xb5: {  	_ =	sfence  }
0xb6: {  	s30 =	sld [smem:$0x0];
	_ =	sdelay $0x2  }
0xb7: {  	s31 =	sshll.u32 s1, $0xD;
	s1 =	sshrl.u32 s1, $0x2  }
0xb8: {  	s3 =	sand.u32 $0x4000, s31;
	s1 =	sadd.s32 s1, s30  }
0xb9: {  	s0 =	sor.u32 s3, s0;
	s1 =	sshll.u32 s1, $0x11  }
0xba: {  	s0 =	sor.u32 s1, s0  }
0xbb: {  	s0 =	sadd.s32 $0x8F2B, s0  }
0xbc: {  	[sflag:s0] =	ssyncadd.remote.s32 $0x1  }
0xbd: {  	_ =	sfence.sel $0xFFFF  }
0xbe: {  	[dreg:$0x0] =	wrdreg $0xFFFFFFFF;
	(pc) =	sbr.abs _section_cstart, $3  }
0xbf: {  	[dreg:$0x1] =	wrdreg $0xFFFFFFFF  }
0xc0: {  	_ =	task.clear_ibuf [dreg:s6], $0x2FFFF;
	_ =	strace $0x9FFFFFFF  }
0xc1: {  	(tm) =	ssettm $0x7FFFFFFF  }
tec
execute0_lowered:
.L_overlay_start_1:
0x0: {  	(tag) =	ssettag $0x1  }
0x1: {  	s3 =	rddreg [dreg:$0x0]  }
0x2: {  	s0 =	rddreg [dreg:$0x1];
	s2 =	simm.s32 $0x0;
	s4 =	srdreg.scid  }
0x3: {  	s1 =	stileid.u32;
	s12 =	simm.s32 $0x8000;
	s13 =	simm.s32 $0x10000  }
0x4: {  	s14 =	simm.s32 $0x2;
	s15 =	simm.s32 $0x3;
	s16 =	simm.s32 $0x0  }
0x5: {  	[smem:$0x7FF] =	sst s2;
	s4 =	sand.u32 $0x1, s4;
	s5 =	sshll.u32 s1, $0xE  }
0x6: {  	s7 =	sadd.s32 $0x800, s3;
	s9 =	sadd.s32 $0x40800, s3;
	s6 =	sshll.u32 s4, $0xD  }
0x7: {  	_ =	strace $0x80000047;
	s4 =	ssub.s32 $0x2, s4;
	s8 =	sor.u32 s6, s5  }
0x8: {  	v0 =	vlaneseq.u32;
	s31 =	sshrl.u32 s4, $0x1;
	s3 =	sadd.s32 s7, s8;
	s11 =	sor.u32 $0x1000, s8  }
0x9: {  	v1 =	vmul.u32 $0x800, v0;
	s10 =	ssub.s32 s4, s31;
	s4 =	sadd.s32 $0x800, s3;
	s5 =	sadd.s32 s7, s11  }
0xa: {  	s6 =	sadd.s32 $0x1800, s3;
	s7 =	sadd.s32 s9, s8;
	s8 =	sadd.s32 s9, s11  }
0xb: {  	v2 =	vimm.f32 $1.000000000e+00;
	v0 =	vimm.f32 $0.0e+00;
	v1 =	vor.u32 $0x400, v1;
	s9 =	smax.u32 s10, $0x1;
	s10 =	simm.s32 $0x4000;
	s11 =	simm.s32 $0x1  }
.LBB2_1:
0xc: {  	s17 =	simm.s32 $0x8040  }
0xd: {  	[tilespmem:s17+$0x30] =	vst v0  }
0xe: {  	[tilespmem:s17+$0xFFFFFFF0] =	vst v0  }
0xf: {  	[tilespmem:s17+$0xFFFFFFC0] =	vst v0  }
0x10: {  	[tilespmem:s17+$0xFFFFFFE0] =	vst v0  }
0x11: {  	[tilespmem:s17+$0x10] =	vst v0  }
0x12: {  	[tilespmem:s17+$0x20] =	vst v0  }
0x13: {  	[tilespmem:s17+$0x0] =	vst v0  }
0x14: {  	s18 =	simm.s32 $0x10040;
	[tilespmem:s17+$0xFFFFFFD0] =	vst v0  }
0x15: {  	[tilespmem:s18+$0xFFFFFFC0] =	vst v0  }
0x16: {  	[tilespmem:s18+$0x30] =	vst v0  }
0x17: {  	[tilespmem:s18+$0x20] =	vst v0  }
0x18: {  	[tilespmem:s18+$0x10] =	vst v0  }
0x19: {  	[tilespmem:s18+$0xFFFFFFE0] =	vst v0  }
0x1a: {  	[tilespmem:s18+$0x0] =	vst v0  }
0x1b: {  	s19 =	simm.s32 $0x0;
	[tilespmem:s18+$0xFFFFFFF0] =	vst v0  }
.LBB2_2:
0x1c: {  	s19 =	sadd.s32 $0x8, s19;
	[tilespmem:s18+$0xFFFFFFD0] =	vst v0;
	s17 =	sadd.s32 $0x80, s17;
	s18 =	sadd.s32 $0x80, s18  }
0x1d: {  	[tilespmem:s17+$0x30] =	vst v0;
	p0 =	slt.u32 s19, $0x7F8  }
0x1e: {  	[tilespmem:s17+$0xFFFFFFF0] =	vst v0  }
0x1f: {  	[tilespmem:s17+$0xFFFFFFC0] =	vst v0  }
0x20: {  	[tilespmem:s18+$0xFFFFFFC0] =	vst v0  }
0x21: {  	[tilespmem:s18+$0x30] =	vst v0  }
0x22: {  	[tilespmem:s17+$0xFFFFFFE0] =	vst v0  }
0x23: {  	[tilespmem:s17+$0x10] =	vst v0  }
0x24: {  	[tilespmem:s17+$0x20] =	vst v0  }
0x25: {  	[tilespmem:s18+$0x20] =	vst v0  }
0x26: {  	[tilespmem:s18+$0x10] =	vst v0  }
.Ltmp0:
0x27: {  	[tilespmem:s18+$0xFFFFFFE0] =	vst v0;
	(pc) =	sbr.rel @p0 .LBB2_2-.Ltmp0, $4  }
0x28: {  	[tilespmem:s17+$0x0] =	vst v0  }
0x29: {  	[tilespmem:s18+$0x0] =	vst v0  }
0x2a: {  	[tilespmem:s18+$0xFFFFFFF0] =	vst v0  }
0x2b: {  	[tilespmem:s17+$0xFFFFFFD0] =	vst v0  }
0x2c: {  	[tilespmem:s18+$0xFFFFFFD0] =	vst v0  }
0x2d: {  	[tilespmem:s2], [sflag:$0x1] =	stream.linear.gather [hbm4b:s3+s2], $0x4000, $0x38;
	[tilespmem:$0x18000] =	vst v63  }
0x2e: {  	_ = 	snop  }
0x2f: {  	[tilespmem:s10], [sflag:$0x2] =	stream.linear.gather [hbm4b:s4+s2], $0x4000, $0x38;
	[tilespmem:$0x18000] =	vst v63  }
0x30: {  	_ =	swait.ge [sflag:s11], $0x4000  }
0x31: {  	[sflag:s11] =	ssyncset.done $0x0  }
0x32: {  	s17 =	simm.s32 $0x40;
	[sflag:s11] =	ssyncadd.s32 $0xFFFFC000  }
0x33: {  	v7 =	vld [tilespmem:s17+$0x30]  }
0x34: {  	v4 =	vld [tilespmem:s17+$0xFFFFFFD0]  }
0x35: {  	v10 =	vld [tilespmem:s17+$0xFFFFFFE0];
	_ =	sdelay $0x1  }
0x36: {  	v11 =	vld [tilespmem:s17+$0xFFFFFFF0]  }
0x37: {  	v12 =	vld [tilespmem:s17+$0x0]  }
0x38: {  	v18 =	vand.u32 $0x7FFFFFFF, v7  }
0x39: {  	v3 =	vand.u32 $0x7FFFFFFF, v4;
	v14 =	vshrl.u32 v4, $0x15;
	v5 =	vand.u32 $0x7FFFFFFF, v10  }
0x3a: {  	v4 =	vmin.f32 v18, $1.999999880e+00;
	v6 =	vmin.f32 v3, $1.999999880e+00;
	v19 =	vmin.f32 v5, $1.999999880e+00  }
0x3b: {  	v13 =	vld [tilespmem:s17+$0x10];
	v14 =	vand.u32 $0x400, v14;
	v8 =	vadd.f32 $2.000000000e+00, v4;
	v17 =	vadd.f32 $2.000000000e+00, v6  }
0x3c: {  	v15 =	vld [tilespmem:s17+$0x20];
	v6 =	vand.u32 $0x7FFFFFFF, v11;
	v4 =	vand.u32 $0x7FFFFFFF, v12;
	v11 =	vshrl.u32 v11, $0x15  }
0x3d: {  	v16 =	vld [tilespmem:s17+$0xFFFFFFC0];
	v12 =	vshrl.u32 v12, $0x15;
	v22 =	vmin.f32 v6, $1.999999880e+00;
	v23 =	vmin.f32 v4, $1.999999880e+00  }
0x3e: {  	v11 =	vand.u32 $0x400, v11;
	v12 =	vand.u32 $0x400, v12;
	v9 =	vshrl.u32 v8, $0xD  }
0x3f: {  	v8 =	vshrl.u32 v7, $0x15;
	v26 =	vshrl.u32 v17, $0xD;
	v17 =	vadd.f32 $2.000000000e+00, v19  }
0x40: {  	v7 =	vand.u32 $0x7FFFFFFF, v13;
	v19 =	vadd.f32 $2.000000000e+00, v22;
	v22 =	vadd.f32 $2.000000000e+00, v23  }
0x41: {  	v20 =	vand.u32 $0x380, v9;
	v21 =	vand.u32 $0x400, v8;
	v8 =	vand.u32 $0x7FFFFFFF, v15  }
0x42: {  	v20 =	vsub.s32 v20, v21;
	v21 =	vand.u32 $0x7F, v9;
	v9 =	vand.u32 $0x7FFFFFFF, v16  }
0x43: {  	v25 =	vmin.f32 v8, $1.999999880e+00;
	v27 =	vshrl.u32 v17, $0xD;
	v19 =	vshrl.u32 v19, $0xD  }
0x44: {  	v16 =	vshrl.u32 v16, $0x15;
	v63 =	vshrl.u32 v22, $0xD;
	v22 =	vshrl.u32 v15, $0x15  }
0x45: {  	v15 =	vand.u32 $0x380, v26;
	v20 =	vor.u32 v21, v20;
	v21 =	vmin.f32 v9, $1.999999880e+00  }
0x46: {  	v24 =	vadd.s32 v1, v20;
	v20 =	vadd.f32 $2.000000000e+00, v21;
	v21 =	vmin.f32 v7, $1.999999880e+00  }
0x47: {  	v17 =	vadd.f32 $2.000000000e+00, v25;
	v23 =	vand.u32 $0x380, v27;
	v21 =	vadd.f32 $2.000000000e+00, v21  }
0x48: {  	v29 =	vand.u32 $0x380, v19;
	v30 =	vand.u32 $0x380, v63;
	v16 =	vand.u32 $0x400, v16  }
0x49: {  	v20 =	vshrl.u32 v20, $0xD;
	v28 =	vshrl.u32 v21, $0xD;
	v21 =	vshrl.u32 v10, $0x15  }
0x4a: {  	v10 =	vshrl.u32 v17, $0xD;
	v17 =	vshrl.u32 v13, $0x15;
	v13 =	vand.u32 $0x380, v20  }
0x4b: {  	v15 =	vsub.s32 v15, v14;
	v22 =	vand.u32 $0x400, v22;
	v13 =	vsub.s32 v13, v16  }
0x4c: {  	v31 =	vand.u32 $0x380, v28;
	v32 =	vand.u32 $0x380, v10;
	v14 =	vand.u32 $0x400, v21  }
0x4d: {  	v21 =	vand.u32 $0x400, v17;
	v16 =	vsub.s32 v29, v11;
	v17 =	vsub.s32 v23, v14  }
0x4e: {  	v14 =	vsub.s32 v30, v12;
	v12 =	vsub.s32 v31, v21;
	v11 =	vsub.s32 v32, v22  }
0x4f: {  	[tilespmem:v24+s12+$0x0] =	vst.idx.add.f32.msk $0xffff, v2;
	v23 =	vand.u32 $0x7F, v20;
	v22 =	vand.u32 $0x7F, v26;
	v20 =	vand.u32 $0x7F, v27  }
0x50: {  	s18 =	simm.s32 $0xC0;
	s17 =	simm.s32 $0x0;
	v21 =	vand.u32 $0x7F, v19;
	v19 =	vand.u32 $0x7F, v63;
	[tilespmem:v24+s13+$0x0] =	vst.idx.add.f32.msk $0xffff, v18;
	v18 =	vand.u32 $0x7F, v28  }
.LBB2_4:
0x51: {  	v24 =	vld [tilespmem:s18+$0x30];
	v13 =	vor.u32 v23, v13;
	v15 =	vor.u32 v22, v15;
	v10 =	vand.u32 $0x7F, v10  }
0x52: {  	s17 =	sadd.s32 $0x8, s17;
	v17 =	vor.u32 v20, v17;
	v16 =	vor.u32 v21, v16;
	v14 =	vor.u32 v19, v14;
	v22 =	vld [tilespmem:s18+$0xFFFFFFD0]  }
0x53: {  	v12 =	vor.u32 v18, v12;
	p0 =	slt.u32 s17, $0x3F8;
	v13 =	vadd.s32 v1, v13;
	v10 =	vor.u32 v10, v11;
	v19 =	vld [tilespmem:s18+$0xFFFFFFE0]  }
0x54: {  	v15 =	vadd.s32 v1, v15;
	v17 =	vadd.s32 v1, v17;
	v16 =	vadd.s32 v1, v16;
	v11 =	vld [tilespmem:s18+$0xFFFFFFF0]  }
0x55: {  	v14 =	vadd.s32 v1, v14;
	v12 =	vadd.s32 v1, v12;
	v20 =	vadd.s32 v1, v10;
	v18 =	vld [tilespmem:s18+$0x0]  }
0x56: {  	v21 =	vld [tilespmem:s18+$0x10];
	v23 =	vand.u32 $0x7FFFFFFF, v24  }
0x57: {  	v10 =	vand.u32 $0x7FFFFFFF, v22;
	v22 =	vshrl.u32 v22, $0x15;
	v25 =	vld [tilespmem:s18+$0x20];
	v26 =	vmin.f32 v23, $1.999999880e+00  }
0x58: {  	v27 =	vld [tilespmem:s18+$0xFFFFFFC0];
	v28 =	vmin.f32 v10, $1.999999880e+00;
	v29 =	vand.u32 $0x7FFFFFFF, v19;
	v26 =	vadd.f32 $2.000000000e+00, v26  }
0x59: {  	v28 =	vadd.f32 $2.000000000e+00, v28;
	v30 =	vmin.f32 v29, $1.999999880e+00;
	v31 =	vand.u32 $0x7FFFFFFF, v11;
	[tilespmem:v13+s12+$0x0] =	vst.idx.add.f32.msk $0xffff, v2  }
0x5a: {  	v24 =	vshrl.u32 v24, $0x15;
	v32 =	vand.u32 $0x7FFFFFFF, v18;
	v26 =	vshrl.u32 v26, $0xD;
	[tilespmem:v13+s13+$0x0] =	vst.idx.add.f32.msk $0xffff, v9  }
0x5b: {  	v24 =	vand.u32 $0x400, v24;
	v13 =	vand.u32 $0x7FFFFFFF, v21;
	v9 =	vand.u32 $0x380, v26;
	[tilespmem:v15+s12+$0x0] =	vst.idx.add.f32.msk $0xffff, v2  }
0x5c: {  	v26 =	vand.u32 $0x7F, v26;
	v33 =	vand.u32 $0x7FFFFFFF, v25;
	v24 =	vsub.s32 v9, v24;
	[tilespmem:v15+s13+$0x0] =	vst.idx.add.f32.msk $0xffff, v3;
	v3 =	vmovc v10  }
0x5d: {  	v10 =	vmin.f32 v31, $1.999999880e+00;
	v9 =	vand.u32 $0x7FFFFFFF, v27;
	v15 =	vor.u32 v26, v24;
	[tilespmem:v17+s12+$0x0] =	vst.idx.add.f32.msk $0xffff, v2  }
0x5e: {  	v26 =	vmin.f32 v32, $1.999999880e+00;
	v24 =	vmin.f32 v9, $1.999999880e+00;
	v15 =	vadd.s32 v1, v15;
	[tilespmem:v17+s13+$0x0] =	vst.idx.add.f32.msk $0xffff, v5;
	v5 =	vmovc v29  }
0x5f: {  	v29 =	vmin.f32 v33, $1.999999880e+00;
	v17 =	vadd.f32 $2.000000000e+00, v24;
	v24 =	vmin.f32 v13, $1.999999880e+00;
	[tilespmem:v16+s12+$0x0] =	vst.idx.add.f32.msk $0xffff, v2  }
0x60: {  	v30 =	vadd.f32 $2.000000000e+00, v30;
	v28 =	vshrl.u32 v28, $0xD;
	v10 =	vadd.f32 $2.000000000e+00, v10;
	[tilespmem:v16+s13+$0x0] =	vst.idx.add.f32.msk $0xffff, v6;
	v6 =	vmovc v31  }
0x61: {  	v16 =	vadd.f32 $2.000000000e+00, v26;
	v31 =	vshrl.u32 v17, $0xD;
	v17 =	vadd.f32 $2.000000000e+00, v24;
	[tilespmem:v14+s12+$0x0] =	vst.idx.add.f32.msk $0xffff, v2  }
0x62: {  	v26 =	vshrl.u32 v10, $0xD;
	v10 =	vadd.f32 $2.000000000e+00, v29;
	v24 =	vshrl.u32 v30, $0xD;
	[tilespmem:v14+s13+$0x0] =	vst.idx.add.f32.msk $0xffff, v4;
	v4 =	vmovc v32  }
0x63: {  	v14 =	vshrl.u32 v27, $0x15;
	v27 =	vshrl.u32 v16, $0xD;
	v29 =	vshrl.u32 v17, $0xD;
	[tilespmem:v15+s12+$0x0] =	vst.idx.add.f32.msk $0xffff, v2  }
0x64: {  	v11 =	vshrl.u32 v11, $0x15;
	v16 =	vshrl.u32 v19, $0x15;
	v10 =	vshrl.u32 v10, $0xD;
	[tilespmem:v15+s13+$0x0] =	vst.idx.add.f32.msk $0xffff, v23  }
0x65: {  	v17 =	vshrl.u32 v21, $0x15;
	v15 =	vshrl.u32 v18, $0x15;
	v18 =	vshrl.u32 v25, $0x15;
	[tilespmem:v12+s12+$0x0] =	vst.idx.add.f32.msk $0xffff, v2  }
0x66: {  	v19 =	vand.u32 $0x380, v31;
	v21 =	vand.u32 $0x380, v28;
	v23 =	vand.u32 $0x380, v24;
	[tilespmem:v12+s13+$0x0] =	vst.idx.add.f32.msk $0xffff, v7;
	v7 =	vmovc v13  }
0x67: {  	v25 =	vand.u32 $0x380, v27;
	v30 =	vand.u32 $0x380, v29;
	v12 =	vand.u32 $0x380, v26;
	[tilespmem:v20+s12+$0x0] =	vst.idx.add.f32.msk $0xffff, v2  }
0x68: {  	v13 =	vand.u32 $0x400, v14;
	v14 =	vand.u32 $0x400, v22;
	v22 =	vand.u32 $0x380, v10;
	[tilespmem:v20+s13+$0x0] =	vst.idx.add.f32.msk $0xffff, v8;
	v8 =	vmovc v33  }
0x69: {  	v11 =	vand.u32 $0x400, v11;
	v16 =	vand.u32 $0x400, v16;
	v20 =	vand.u32 $0x400, v15  }
.Ltmp1:
0x6a: {  	v18 =	vand.u32 $0x400, v18;
	v13 =	vsub.s32 v19, v13;
	v19 =	vand.u32 $0x400, v17;
	(pc) =	sbr.rel @p0 .LBB2_4-.Ltmp1, $4  }
0x6b: {  	v17 =	vsub.s32 v23, v16;
	v16 =	vsub.s32 v12, v11;
	v15 =	vsub.s32 v21, v14  }
0x6c: {  	v11 =	vsub.s32 v22, v18;
	v12 =	vsub.s32 v30, v19;
	v14 =	vsub.s32 v25, v20  }
0x6d: {  	v23 =	vand.u32 $0x7F, v31;
	v22 =	vand.u32 $0x7F, v28;
	v20 =	vand.u32 $0x7F, v24  }
0x6e: {  	s18 =	sadd.s32 $0x80, s18;
	v18 =	vand.u32 $0x7F, v29;
	v21 =	vand.u32 $0x7F, v26;
	v19 =	vand.u32 $0x7F, v27  }
0x6f: {  	v13 =	vor.u32 v23, v13  }
0x70: {  	v15 =	vor.u32 v22, v15;
	v13 =	vadd.s32 v1, v13  }
0x71: {  	v17 =	vor.u32 v20, v17;
	v15 =	vadd.s32 v1, v15  }
0x72: {  	v17 =	vadd.s32 v1, v17;
	_ =	sdelay $0x2  }
0x73: {  	[tilespmem:v13+s12+$0x0] =	vst.idx.add.f32.msk $0xffff, v2  }
0x74: {  	v16 =	vor.u32 v21, v16;
	[tilespmem:v15+s12+$0x0] =	vst.idx.add.f32.msk $0xffff, v2  }
0x75: {  	v16 =	vadd.s32 v1, v16;
	[tilespmem:v17+s12+$0x0] =	vst.idx.add.f32.msk $0xffff, v2  }
0x76: {  	[tilespmem:v13+s13+$0x0] =	vst.idx.add.f32.msk $0xffff, v9;
	v9 =	vor.u32 v19, v14  }
0x77: {  	v10 =	vand.u32 $0x7F, v10;
	[tilespmem:v15+s13+$0x0] =	vst.idx.add.f32.msk $0xffff, v3;
	v3 =	vor.u32 v18, v12;
	v9 =	vadd.s32 v1, v9  }
0x78: {  	[tilespmem:v17+s13+$0x0] =	vst.idx.add.f32.msk $0xffff, v5;
	v5 =	vor.u32 v10, v11;
	v3 =	vadd.s32 v1, v3  }
0x79: {  	v5 =	vadd.s32 v1, v5  }
0x7a: {  	[tilespmem:v16+s12+$0x0] =	vst.idx.add.f32.msk $0xffff, v2  }
0x7b: {  	[tilespmem:v16+s13+$0x0] =	vst.idx.add.f32.msk $0xffff, v6  }
0x7c: {  	[tilespmem:v9+s12+$0x0] =	vst.idx.add.f32.msk $0xffff, v2  }
0x7d: {  	[tilespmem:v3+s12+$0x0] =	vst.idx.add.f32.msk $0xffff, v2  }
0x7e: {  	[tilespmem:v5+s12+$0x0] =	vst.idx.add.f32.msk $0xffff, v2  }
0x7f: {  	[tilespmem:v9+s13+$0x0] =	vst.idx.add.f32.msk $0xffff, v4  }
0x80: {  	[tilespmem:v3+s13+$0x0] =	vst.idx.add.f32.msk $0xffff, v7  }
0x81: {  	[tilespmem:v5+s13+$0x0] =	vst.idx.add.f32.msk $0xffff, v8  }
0x82: {  	[tilespmem:s2], [sflag:$0x1] =	stream.linear.gather [hbm4b:s5+s2], $0x4000, $0x38;
	[tilespmem:$0x18000] =	vst v63  }
0x83: {  	_ =	swait.ge [sflag:s14], $0x4000  }
0x84: {  	[sflag:s14] =	ssyncset.done $0x0  }
0x85: {  	s17 =	simm.s32 $0x4070;
	[sflag:s14] =	ssyncadd.s32 $0xFFFFC000  }
0x86: {  	v7 =	vld [tilespmem:s17+$0x0]  }
0x87: {  	v4 =	vld [tilespmem:s17+$0xFFFFFFA0]  }
0x88: {  	v10 =	vld [tilespmem:s17+$0xFFFFFFB0];
	_ =	sdelay $0x1  }
0x89: {  	v11 =	vld [tilespmem:s17+$0xFFFFFFC0]  }
0x8a: {  	v12 =	vld [tilespmem:s17+$0xFFFFFFD0]  }
0x8b: {  	v18 =	vand.u32 $0x7FFFFFFF, v7  }
0x8c: {  	v3 =	vand.u32 $0x7FFFFFFF, v4;
	v14 =	vshrl.u32 v4, $0x15;
	v5 =	vand.u32 $0x7FFFFFFF, v10  }
0x8d: {  	v4 =	vmin.f32 v18, $1.999999880e+00;
	v6 =	vmin.f32 v3, $1.999999880e+00;
	v19 =	vmin.f32 v5, $1.999999880e+00  }
0x8e: {  	v13 =	vld [tilespmem:s17+$0xFFFFFFE0];
	v14 =	vand.u32 $0x400, v14;
	v8 =	vadd.f32 $2.000000000e+00, v4;
	v17 =	vadd.f32 $2.000000000e+00, v6  }
0x8f: {  	v15 =	vld [tilespmem:s17+$0xFFFFFFF0];
	v6 =	vand.u32 $0x7FFFFFFF, v11;
	v4 =	vand.u32 $0x7FFFFFFF, v12;
	v11 =	vshrl.u32 v11, $0x15  }
0x90: {  	v16 =	vld [tilespmem:s17+$0xFFFFFF90];
	v12 =	vshrl.u32 v12, $0x15;
	v22 =	vmin.f32 v6, $1.999999880e+00;
	v23 =	vmin.f32 v4, $1.999999880e+00  }
0x91: {  	v11 =	vand.u32 $0x400, v11;
	v12 =	vand.u32 $0x400, v12;
	v9 =	vshrl.u32 v8, $0xD  }
0x92: {  	v8 =	vshrl.u32 v7, $0x15;
	v26 =	vshrl.u32 v17, $0xD;
	v17 =	vadd.f32 $2.000000000e+00, v19  }
0x93: {  	v7 =	vand.u32 $0x7FFFFFFF, v13;
	v19 =	vadd.f32 $2.000000000e+00, v22;
	v22 =	vadd.f32 $2.000000000e+00, v23  }
0x94: {  	v20 =	vand.u32 $0x380, v9;
	v21 =	vand.u32 $0x400, v8;
	v8 =	vand.u32 $0x7FFFFFFF, v15  }
0x95: {  	v20 =	vsub.s32 v20, v21;
	v21 =	vand.u32 $0x7F, v9;
	v9 =	vand.u32 $0x7FFFFFFF, v16  }
0x96: {  	v25 =	vmin.f32 v8, $1.999999880e+00;
	v27 =	vshrl.u32 v17, $0xD;
	v19 =	vshrl.u32 v19, $0xD  }
0x97: {  	v16 =	vshrl.u32 v16, $0x15;
	v63 =	vshrl.u32 v22, $0xD;
	v22 =	vshrl.u32 v15, $0x15  }
0x98: {  	v15 =	vand.u32 $0x380, v26;
	v20 =	vor.u32 v21, v20;
	v21 =	vmin.f32 v9, $1.999999880e+00  }
0x99: {  	v24 =	vadd.s32 v1, v20;
	v20 =	vadd.f32 $2.000000000e+00, v21;
	v21 =	vmin.f32 v7, $1.999999880e+00  }
0x9a: {  	v17 =	vadd.f32 $2.000000000e+00, v25;
	v23 =	vand.u32 $0x380, v27;
	v21 =	vadd.f32 $2.000000000e+00, v21  }
0x9b: {  	v29 =	vand.u32 $0x380, v19;
	v30 =	vand.u32 $0x380, v63;
	v16 =	vand.u32 $0x400, v16  }
0x9c: {  	v20 =	vshrl.u32 v20, $0xD;
	v28 =	vshrl.u32 v21, $0xD;
	v21 =	vshrl.u32 v10, $0x15  }
0x9d: {  	v10 =	vshrl.u32 v17, $0xD;
	v17 =	vshrl.u32 v13, $0x15;
	v13 =	vand.u32 $0x380, v20  }
0x9e: {  	v15 =	vsub.s32 v15, v14;
	v22 =	vand.u32 $0x400, v22;
	v13 =	vsub.s32 v13, v16  }
0x9f: {  	v31 =	vand.u32 $0x380, v28;
	v32 =	vand.u32 $0x380, v10;
	v14 =	vand.u32 $0x400, v21  }
0xa0: {  	v21 =	vand.u32 $0x400, v17;
	v16 =	vsub.s32 v29, v11;
	v17 =	vsub.s32 v23, v14  }
0xa1: {  	v14 =	vsub.s32 v30, v12;
	v12 =	vsub.s32 v31, v21;
	v11 =	vsub.s32 v32, v22  }
0xa2: {  	[tilespmem:v24+s12+$0x0] =	vst.idx.add.f32.msk $0xffff, v2;
	v23 =	vand.u32 $0x7F, v20;
	v22 =	vand.u32 $0x7F, v26;
	v20 =	vand.u32 $0x7F, v27  }
0xa3: {  	s18 =	simm.s32 $0x40F0;
	s17 =	simm.s32 $0x0;
	v21 =	vand.u32 $0x7F, v19;
	v19 =	vand.u32 $0x7F, v63;
	[tilespmem:v24+s13+$0x0] =	vst.idx.add.f32.msk $0xffff, v18;
	v18 =	vand.u32 $0x7F, v28  }
.LBB2_6:
0xa4: {  	v24 =	vld [tilespmem:s18+$0x0];
	v13 =	vor.u32 v23, v13;
	v15 =	vor.u32 v22, v15;
	v10 =	vand.u32 $0x7F, v10  }
0xa5: {  	s17 =	sadd.s32 $0x8, s17;
	v17 =	vor.u32 v20, v17;
	v16 =	vor.u32 v21, v16;
	v14 =	vor.u32 v19, v14;
	v22 =	vld [tilespmem:s18+$0xFFFFFFA0]  }
0xa6: {  	v12 =	vor.u32 v18, v12;
	p0 =	slt.u32 s17, $0x3F8;
	v13 =	vadd.s32 v1, v13;
	v10 =	vor.u32 v10, v11;
	v19 =	vld [tilespmem:s18+$0xFFFFFFB0]  }
0xa7: {  	v15 =	vadd.s32 v1, v15;
	v17 =	vadd.s32 v1, v17;
	v16 =	vadd.s32 v1, v16;
	v11 =	vld [tilespmem:s18+$0xFFFFFFC0]  }
0xa8: {  	v14 =	vadd.s32 v1, v14;
	v12 =	vadd.s32 v1, v12;
	v20 =	vadd.s32 v1, v10;
	v18 =	vld [tilespmem:s18+$0xFFFFFFD0]  }
0xa9: {  	v21 =	vld [tilespmem:s18+$0xFFFFFFE0];
	v23 =	vand.u32 $0x7FFFFFFF, v24  }
0xaa: {  	v10 =	vand.u32 $0x7FFFFFFF, v22;
	v22 =	vshrl.u32 v22, $0x15;
	v25 =	vld [tilespmem:s18+$0xFFFFFFF0];
	v26 =	vmin.f32 v23, $1.999999880e+00  }
0xab: {  	v27 =	vld [tilespmem:s18+$0xFFFFFF90];
	v28 =	vmin.f32 v10, $1.999999880e+00;
	v29 =	vand.u32 $0x7FFFFFFF, v19;
	v26 =	vadd.f32 $2.000000000e+00, v26  }
0xac: {  	v28 =	vadd.f32 $2.000000000e+00, v28;
	v30 =	vmin.f32 v29, $1.999999880e+00;
	v31 =	vand.u32 $0x7FFFFFFF, v11;
	[tilespmem:v13+s12+$0x0] =	vst.idx.add.f32.msk $0xffff, v2  }
0xad: {  	v24 =	vshrl.u32 v24, $0x15;
	v32 =	vand.u32 $0x7FFFFFFF, v18;
	v26 =	vshrl.u32 v26, $0xD;
	[tilespmem:v13+s13+$0x0] =	vst.idx.add.f32.msk $0xffff, v9  }
0xae: {  	v24 =	vand.u32 $0x400, v24;
	v13 =	vand.u32 $0x7FFFFFFF, v21;
	v9 =	vand.u32 $0x380, v26;
	[tilespmem:v15+s12+$0x0] =	vst.idx.add.f32.msk $0xffff, v2  }
0xaf: {  	v26 =	vand.u32 $0x7F, v26;
	v33 =	vand.u32 $0x7FFFFFFF, v25;
	v24 =	vsub.s32 v9, v24;
	[tilespmem:v15+s13+$0x0] =	vst.idx.add.f32.msk $0xffff, v3;
	v3 =	vmovc v10  }
0xb0: {  	v10 =	vmin.f32 v31, $1.999999880e+00;
	v9 =	vand.u32 $0x7FFFFFFF, v27;
	v15 =	vor.u32 v26, v24;
	[tilespmem:v17+s12+$0x0] =	vst.idx.add.f32.msk $0xffff, v2  }
0xb1: {  	v26 =	vmin.f32 v32, $1.999999880e+00;
	v24 =	vmin.f32 v9, $1.999999880e+00;
	v15 =	vadd.s32 v1, v15;
	[tilespmem:v17+s13+$0x0] =	vst.idx.add.f32.msk $0xffff, v5;
	v5 =	vmovc v29  }
0xb2: {  	v29 =	vmin.f32 v33, $1.999999880e+00;
	v17 =	vadd.f32 $2.000000000e+00, v24;
	v24 =	vmin.f32 v13, $1.999999880e+00;
	[tilespmem:v16+s12+$0x0] =	vst.idx.add.f32.msk $0xffff, v2  }
0xb3: {  	v30 =	vadd.f32 $2.000000000e+00, v30;
	v28 =	vshrl.u32 v28, $0xD;
	v10 =	vadd.f32 $2.000000000e+00, v10;
	[tilespmem:v16+s13+$0x0] =	vst.idx.add.f32.msk $0xffff, v6;
	v6 =	vmovc v31  }
0xb4: {  	v16 =	vadd.f32 $2.000000000e+00, v26;
	v31 =	vshrl.u32 v17, $0xD;
	v17 =	vadd.f32 $2.000000000e+00, v24;
	[tilespmem:v14+s12+$0x0] =	vst.idx.add.f32.msk $0xffff, v2  }
0xb5: {  	v26 =	vshrl.u32 v10, $0xD;
	v10 =	vadd.f32 $2.000000000e+00, v29;
	v24 =	vshrl.u32 v30, $0xD;
	[tilespmem:v14+s13+$0x0] =	vst.idx.add.f32.msk $0xffff, v4;
	v4 =	vmovc v32  }
0xb6: {  	v14 =	vshrl.u32 v27, $0x15;
	v27 =	vshrl.u32 v16, $0xD;
	v29 =	vshrl.u32 v17, $0xD;
	[tilespmem:v15+s12+$0x0] =	vst.idx.add.f32.msk $0xffff, v2  }
0xb7: {  	v11 =	vshrl.u32 v11, $0x15;
	v16 =	vshrl.u32 v19, $0x15;
	v10 =	vshrl.u32 v10, $0xD;
	[tilespmem:v15+s13+$0x0] =	vst.idx.add.f32.msk $0xffff, v23  }
0xb8: {  	v17 =	vshrl.u32 v21, $0x15;
	v15 =	vshrl.u32 v18, $0x15;
	v18 =	vshrl.u32 v25, $0x15;
	[tilespmem:v12+s12+$0x0] =	vst.idx.add.f32.msk $0xffff, v2  }
0xb9: {  	v19 =	vand.u32 $0x380, v31;
	v21 =	vand.u32 $0x380, v28;
	v23 =	vand.u32 $0x380, v24;
	[tilespmem:v12+s13+$0x0] =	vst.idx.add.f32.msk $0xffff, v7;
	v7 =	vmovc v13  }
0xba: {  	v25 =	vand.u32 $0x380, v27;
	v30 =	vand.u32 $0x380, v29;
	v12 =	vand.u32 $0x380, v26;
	[tilespmem:v20+s12+$0x0] =	vst.idx.add.f32.msk $0xffff, v2  }
0xbb: {  	v13 =	vand.u32 $0x400, v14;
	v14 =	vand.u32 $0x400, v22;
	v22 =	vand.u32 $0x380, v10;
	[tilespmem:v20+s13+$0x0] =	vst.idx.add.f32.msk $0xffff, v8;
	v8 =	vmovc v33  }
0xbc: {  	v11 =	vand.u32 $0x400, v11;
	v16 =	vand.u32 $0x400, v16;
	v20 =	vand.u32 $0x400, v15  }
.Ltmp2:
0xbd: {  	v18 =	vand.u32 $0x400, v18;
	v13 =	vsub.s32 v19, v13;
	v19 =	vand.u32 $0x400, v17;
	(pc) =	sbr.rel @p0 .LBB2_6-.Ltmp2, $4  }
0xbe: {  	v17 =	vsub.s32 v23, v16;
	v16 =	vsub.s32 v12, v11;
	v15 =	vsub.s32 v21, v14  }
0xbf: {  	v11 =	vsub.s32 v22, v18;
	v12 =	vsub.s32 v30, v19;
	v14 =	vsub.s32 v25, v20  }
0xc0: {  	v23 =	vand.u32 $0x7F, v31;
	v22 =	vand.u32 $0x7F, v28;
	v20 =	vand.u32 $0x7F, v24  }
0xc1: {  	s18 =	sadd.s32 $0x80, s18;
	v18 =	vand.u32 $0x7F, v29;
	v21 =	vand.u32 $0x7F, v26;
	v19 =	vand.u32 $0x7F, v27  }
0xc2: {  	v13 =	vor.u32 v23, v13  }
0xc3: {  	v15 =	vor.u32 v22, v15;
	v13 =	vadd.s32 v1, v13  }
0xc4: {  	v17 =	vor.u32 v20, v17;
	v15 =	vadd.s32 v1, v15  }
0xc5: {  	v17 =	vadd.s32 v1, v17;
	_ =	sdelay $0x2  }
0xc6: {  	[tilespmem:v13+s12+$0x0] =	vst.idx.add.f32.msk $0xffff, v2  }
0xc7: {  	v16 =	vor.u32 v21, v16;
	[tilespmem:v15+s12+$0x0] =	vst.idx.add.f32.msk $0xffff, v2  }
0xc8: {  	v16 =	vadd.s32 v1, v16;
	[tilespmem:v17+s12+$0x0] =	vst.idx.add.f32.msk $0xffff, v2  }
0xc9: {  	[tilespmem:v13+s13+$0x0] =	vst.idx.add.f32.msk $0xffff, v9;
	v9 =	vor.u32 v19, v14  }
0xca: {  	v10 =	vand.u32 $0x7F, v10;
	[tilespmem:v15+s13+$0x0] =	vst.idx.add.f32.msk $0xffff, v3;
	v3 =	vor.u32 v18, v12;
	v9 =	vadd.s32 v1, v9  }
0xcb: {  	[tilespmem:v17+s13+$0x0] =	vst.idx.add.f32.msk $0xffff, v5;
	v5 =	vor.u32 v10, v11;
	v3 =	vadd.s32 v1, v3  }
0xcc: {  	v5 =	vadd.s32 v1, v5  }
0xcd: {  	[tilespmem:v16+s12+$0x0] =	vst.idx.add.f32.msk $0xffff, v2  }
0xce: {  	[tilespmem:v16+s13+$0x0] =	vst.idx.add.f32.msk $0xffff, v6  }
0xcf: {  	[tilespmem:v9+s12+$0x0] =	vst.idx.add.f32.msk $0xffff, v2  }
0xd0: {  	[tilespmem:v3+s12+$0x0] =	vst.idx.add.f32.msk $0xffff, v2  }
0xd1: {  	[tilespmem:v5+s12+$0x0] =	vst.idx.add.f32.msk $0xffff, v2  }
0xd2: {  	[tilespmem:v9+s13+$0x0] =	vst.idx.add.f32.msk $0xffff, v4  }
0xd3: {  	[tilespmem:v3+s13+$0x0] =	vst.idx.add.f32.msk $0xffff, v7  }
0xd4: {  	[tilespmem:v5+s13+$0x0] =	vst.idx.add.f32.msk $0xffff, v8  }
0xd5: {  	[tilespmem:s10], [sflag:$0x2] =	stream.linear.gather [hbm4b:s6+s2], $0x4000, $0x38;
	[tilespmem:$0x18000] =	vst v63  }
0xd6: {  	_ =	swait.ge [sflag:s11], $0x4000  }
0xd7: {  	[sflag:s11] =	ssyncset.done $0x0  }
0xd8: {  	s17 =	simm.s32 $0x40;
	[sflag:s11] =	ssyncadd.s32 $0xFFFFC000  }
0xd9: {  	v7 =	vld [tilespmem:s17+$0x30]  }
0xda: {  	v4 =	vld [tilespmem:s17+$0xFFFFFFD0]  }
0xdb: {  	v10 =	vld [tilespmem:s17+$0xFFFFFFE0];
	_ =	sdelay $0x1  }
0xdc: {  	v11 =	vld [tilespmem:s17+$0xFFFFFFF0]  }
0xdd: {  	v12 =	vld [tilespmem:s17+$0x0]  }
0xde: {  	v18 =	vand.u32 $0x7FFFFFFF, v7  }
0xdf: {  	v3 =	vand.u32 $0x7FFFFFFF, v4;
	v14 =	vshrl.u32 v4, $0x15;
	v5 =	vand.u32 $0x7FFFFFFF, v10  }
0xe0: {  	v4 =	vmin.f32 v18, $1.999999880e+00;
	v6 =	vmin.f32 v3, $1.999999880e+00;
	v19 =	vmin.f32 v5, $1.999999880e+00  }
0xe1: {  	v13 =	vld [tilespmem:s17+$0x10];
	v14 =	vand.u32 $0x400, v14;
	v8 =	vadd.f32 $2.000000000e+00, v4;
	v17 =	vadd.f32 $2.000000000e+00, v6  }
0xe2: {  	v15 =	vld [tilespmem:s17+$0x20];
	v6 =	vand.u32 $0x7FFFFFFF, v11;
	v4 =	vand.u32 $0x7FFFFFFF, v12;
	v11 =	vshrl.u32 v11, $0x15  }
0xe3: {  	v16 =	vld [tilespmem:s17+$0xFFFFFFC0];
	v12 =	vshrl.u32 v12, $0x15;
	v22 =	vmin.f32 v6, $1.999999880e+00;
	v23 =	vmin.f32 v4, $1.999999880e+00  }
0xe4: {  	v11 =	vand.u32 $0x400, v11;
	v12 =	vand.u32 $0x400, v12;
	v9 =	vshrl.u32 v8, $0xD  }
0xe5: {  	v8 =	vshrl.u32 v7, $0x15;
	v26 =	vshrl.u32 v17, $0xD;
	v17 =	vadd.f32 $2.000000000e+00, v19  }
0xe6: {  	v7 =	vand.u32 $0x7FFFFFFF, v13;
	v19 =	vadd.f32 $2.000000000e+00, v22;
	v22 =	vadd.f32 $2.000000000e+00, v23  }
0xe7: {  	v20 =	vand.u32 $0x380, v9;
	v21 =	vand.u32 $0x400, v8;
	v8 =	vand.u32 $0x7FFFFFFF, v15  }
0xe8: {  	v20 =	vsub.s32 v20, v21;
	v21 =	vand.u32 $0x7F, v9;
	v9 =	vand.u32 $0x7FFFFFFF, v16  }
0xe9: {  	v25 =	vmin.f32 v8, $1.999999880e+00;
	v27 =	vshrl.u32 v17, $0xD;
	v19 =	vshrl.u32 v19, $0xD  }
0xea: {  	v16 =	vshrl.u32 v16, $0x15;
	v63 =	vshrl.u32 v22, $0xD;
	v22 =	vshrl.u32 v15, $0x15  }
0xeb: {  	v15 =	vand.u32 $0x380, v26;
	v20 =	vor.u32 v21, v20;
	v21 =	vmin.f32 v9, $1.999999880e+00  }
0xec: {  	v24 =	vadd.s32 v1, v20;
	v20 =	vadd.f32 $2.000000000e+00, v21;
	v21 =	vmin.f32 v7, $1.999999880e+00  }
0xed: {  	v17 =	vadd.f32 $2.000000000e+00, v25;
	v23 =	vand.u32 $0x380, v27;
	v21 =	vadd.f32 $2.000000000e+00, v21  }
0xee: {  	v29 =	vand.u32 $0x380, v19;
	v30 =	vand.u32 $0x380, v63;
	v16 =	vand.u32 $0x400, v16  }
0xef: {  	v20 =	vshrl.u32 v20, $0xD;
	v28 =	vshrl.u32 v21, $0xD;
	v21 =	vshrl.u32 v10, $0x15  }
0xf0: {  	v10 =	vshrl.u32 v17, $0xD;
	v17 =	vshrl.u32 v13, $0x15;
	v13 =	vand.u32 $0x380, v20  }
0xf1: {  	v15 =	vsub.s32 v15, v14;
	v22 =	vand.u32 $0x400, v22;
	v13 =	vsub.s32 v13, v16  }
0xf2: {  	v31 =	vand.u32 $0x380, v28;
	v32 =	vand.u32 $0x380, v10;
	v14 =	vand.u32 $0x400, v21  }
0xf3: {  	v21 =	vand.u32 $0x400, v17;
	v16 =	vsub.s32 v29, v11;
	v17 =	vsub.s32 v23, v14  }
0xf4: {  	v14 =	vsub.s32 v30, v12;
	v12 =	vsub.s32 v31, v21;
	v11 =	vsub.s32 v32, v22  }
0xf5: {  	[tilespmem:v24+s12+$0x0] =	vst.idx.add.f32.msk $0xffff, v2;
	v23 =	vand.u32 $0x7F, v20;
	v22 =	vand.u32 $0x7F, v26;
	v20 =	vand.u32 $0x7F, v27  }
0xf6: {  	s18 =	simm.s32 $0xC0;
	s17 =	simm.s32 $0x0;
	v21 =	vand.u32 $0x7F, v19;
	v19 =	vand.u32 $0x7F, v63;
	[tilespmem:v24+s13+$0x0] =	vst.idx.add.f32.msk $0xffff, v18;
	v18 =	vand.u32 $0x7F, v28  }
.LBB2_8:
0xf7: {  	v24 =	vld [tilespmem:s18+$0x30];
	v13 =	vor.u32 v23, v13;
	v15 =	vor.u32 v22, v15;
	v10 =	vand.u32 $0x7F, v10  }
0xf8: {  	s17 =	sadd.s32 $0x8, s17;
	v17 =	vor.u32 v20, v17;
	v16 =	vor.u32 v21, v16;
	v14 =	vor.u32 v19, v14;
	v22 =	vld [tilespmem:s18+$0xFFFFFFD0]  }
0xf9: {  	v12 =	vor.u32 v18, v12;
	p0 =	slt.u32 s17, $0x3F8;
	v13 =	vadd.s32 v1, v13;
	v10 =	vor.u32 v10, v11;
	v19 =	vld [tilespmem:s18+$0xFFFFFFE0]  }
0xfa: {  	v15 =	vadd.s32 v1, v15;
	v17 =	vadd.s32 v1, v17;
	v16 =	vadd.s32 v1, v16;
	v11 =	vld [tilespmem:s18+$0xFFFFFFF0]  }
0xfb: {  	v14 =	vadd.s32 v1, v14;
	v12 =	vadd.s32 v1, v12;
	v20 =	vadd.s32 v1, v10;
	v18 =	vld [tilespmem:s18+$0x0]  }
0xfc: {  	v21 =	vld [tilespmem:s18+$0x10];
	v23 =	vand.u32 $0x7FFFFFFF, v24  }
0xfd: {  	v10 =	vand.u32 $0x7FFFFFFF, v22;
	v22 =	vshrl.u32 v22, $0x15;
	v25 =	vld [tilespmem:s18+$0x20];
	v26 =	vmin.f32 v23, $1.999999880e+00  }
0xfe: {  	v27 =	vld [tilespmem:s18+$0xFFFFFFC0];
	v28 =	vmin.f32 v10, $1.999999880e+00;
	v29 =	vand.u32 $0x7FFFFFFF, v19;
	v26 =	vadd.f32 $2.000000000e+00, v26  }
0xff: {  	v28 =	vadd.f32 $2.000000000e+00, v28;
	v30 =	vmin.f32 v29, $1.999999880e+00;
	v31 =	vand.u32 $0x7FFFFFFF, v11;
	[tilespmem:v13+s12+$0x0] =	vst.idx.add.f32.msk $0xffff, v2  }
0x100: {  	v24 =	vshrl.u32 v24, $0x15;
	v32 =	vand.u32 $0x7FFFFFFF, v18;
	v26 =	vshrl.u32 v26, $0xD;
	[tilespmem:v13+s13+$0x0] =	vst.idx.add.f32.msk $0xffff, v9  }
0x101: {  	v24 =	vand.u32 $0x400, v24;
	v13 =	vand.u32 $0x7FFFFFFF, v21;
	v9 =	vand.u32 $0x380, v26;
	[tilespmem:v15+s12+$0x0] =	vst.idx.add.f32.msk $0xffff, v2  }
0x102: {  	v26 =	vand.u32 $0x7F, v26;
	v33 =	vand.u32 $0x7FFFFFFF, v25;
	v24 =	vsub.s32 v9, v24;
	[tilespmem:v15+s13+$0x0] =	vst.idx.add.f32.msk $0xffff, v3;
	v3 =	vmovc v10  }
0x103: {  	v10 =	vmin.f32 v31, $1.999999880e+00;
	v9 =	vand.u32 $0x7FFFFFFF, v27;
	v15 =	vor.u32 v26, v24;
	[tilespmem:v17+s12+$0x0] =	vst.idx.add.f32.msk $0xffff, v2  }
0x104: {  	v26 =	vmin.f32 v32, $1.999999880e+00;
	v24 =	vmin.f32 v9, $1.999999880e+00;
	v15 =	vadd.s32 v1, v15;
	[tilespmem:v17+s13+$0x0] =	vst.idx.add.f32.msk $0xffff, v5;
	v5 =	vmovc v29  }
0x105: {  	v29 =	vmin.f32 v33, $1.999999880e+00;
	v17 =	vadd.f32 $2.000000000e+00, v24;
	v24 =	vmin.f32 v13, $1.999999880e+00;
	[tilespmem:v16+s12+$0x0] =	vst.idx.add.f32.msk $0xffff, v2  }
0x106: {  	v30 =	vadd.f32 $2.000000000e+00, v30;
	v28 =	vshrl.u32 v28, $0xD;
	v10 =	vadd.f32 $2.000000000e+00, v10;
	[tilespmem:v16+s13+$0x0] =	vst.idx.add.f32.msk $0xffff, v6;
	v6 =	vmovc v31  }
0x107: {  	v16 =	vadd.f32 $2.000000000e+00, v26;
	v31 =	vshrl.u32 v17, $0xD;
	v17 =	vadd.f32 $2.000000000e+00, v24;
	[tilespmem:v14+s12+$0x0] =	vst.idx.add.f32.msk $0xffff, v2  }
0x108: {  	v26 =	vshrl.u32 v10, $0xD;
	v10 =	vadd.f32 $2.000000000e+00, v29;
	v24 =	vshrl.u32 v30, $0xD;
	[tilespmem:v14+s13+$0x0] =	vst.idx.add.f32.msk $0xffff, v4;
	v4 =	vmovc v32  }
0x109: {  	v14 =	vshrl.u32 v27, $0x15;
	v27 =	vshrl.u32 v16, $0xD;
	v29 =	vshrl.u32 v17, $0xD;
	[tilespmem:v15+s12+$0x0] =	vst.idx.add.f32.msk $0xffff, v2  }
0x10a: {  	v11 =	vshrl.u32 v11, $0x15;
	v16 =	vshrl.u32 v19, $0x15;
	v10 =	vshrl.u32 v10, $0xD;
	[tilespmem:v15+s13+$0x0] =	vst.idx.add.f32.msk $0xffff, v23  }
0x10b: {  	v17 =	vshrl.u32 v21, $0x15;
	v15 =	vshrl.u32 v18, $0x15;
	v18 =	vshrl.u32 v25, $0x15;
	[tilespmem:v12+s12+$0x0] =	vst.idx.add.f32.msk $0xffff, v2  }
0x10c: {  	v19 =	vand.u32 $0x380, v31;
	v21 =	vand.u32 $0x380, v28;
	v23 =	vand.u32 $0x380, v24;
	[tilespmem:v12+s13+$0x0] =	vst.idx.add.f32.msk $0xffff, v7;
	v7 =	vmovc v13  }
0x10d: {  	v25 =	vand.u32 $0x380, v27;
	v30 =	vand.u32 $0x380, v29;
	v12 =	vand.u32 $0x380, v26;
	[tilespmem:v20+s12+$0x0] =	vst.idx.add.f32.msk $0xffff, v2  }
0x10e: {  	v13 =	vand.u32 $0x400, v14;
	v14 =	vand.u32 $0x400, v22;
	v22 =	vand.u32 $0x380, v10;
	[tilespmem:v20+s13+$0x0] =	vst.idx.add.f32.msk $0xffff, v8;
	v8 =	vmovc v33  }
0x10f: {  	v11 =	vand.u32 $0x400, v11;
	v16 =	vand.u32 $0x400, v16;
	v20 =	vand.u32 $0x400, v15  }
.Ltmp3:
0x110: {  	v18 =	vand.u32 $0x400, v18;
	v13 =	vsub.s32 v19, v13;
	v19 =	vand.u32 $0x400, v17;
	(pc) =	sbr.rel @p0 .LBB2_8-.Ltmp3, $4  }
0x111: {  	v17 =	vsub.s32 v23, v16;
	v16 =	vsub.s32 v12, v11;
	v15 =	vsub.s32 v21, v14  }
0x112: {  	v11 =	vsub.s32 v22, v18;
	v12 =	vsub.s32 v30, v19;
	v14 =	vsub.s32 v25, v20  }
0x113: {  	v23 =	vand.u32 $0x7F, v31;
	v22 =	vand.u32 $0x7F, v28;
	v20 =	vand.u32 $0x7F, v24  }
0x114: {  	s18 =	sadd.s32 $0x80, s18;
	v18 =	vand.u32 $0x7F, v29;
	v21 =	vand.u32 $0x7F, v26;
	v19 =	vand.u32 $0x7F, v27  }
0x115: {  	v13 =	vor.u32 v23, v13  }
0x116: {  	v15 =	vor.u32 v22, v15;
	v13 =	vadd.s32 v1, v13  }
0x117: {  	v17 =	vor.u32 v20, v17;
	v15 =	vadd.s32 v1, v15  }
0x118: {  	v17 =	vadd.s32 v1, v17;
	_ =	sdelay $0x2  }
0x119: {  	[tilespmem:v13+s12+$0x0] =	vst.idx.add.f32.msk $0xffff, v2  }
0x11a: {  	v16 =	vor.u32 v21, v16;
	[tilespmem:v15+s12+$0x0] =	vst.idx.add.f32.msk $0xffff, v2  }
0x11b: {  	v16 =	vadd.s32 v1, v16;
	[tilespmem:v17+s12+$0x0] =	vst.idx.add.f32.msk $0xffff, v2  }
0x11c: {  	[tilespmem:v13+s13+$0x0] =	vst.idx.add.f32.msk $0xffff, v9;
	v9 =	vor.u32 v19, v14  }
0x11d: {  	v10 =	vand.u32 $0x7F, v10;
	[tilespmem:v15+s13+$0x0] =	vst.idx.add.f32.msk $0xffff, v3;
	v3 =	vor.u32 v18, v12;
	v9 =	vadd.s32 v1, v9  }
0x11e: {  	[tilespmem:v17+s13+$0x0] =	vst.idx.add.f32.msk $0xffff, v5;
	v5 =	vor.u32 v10, v11;
	v3 =	vadd.s32 v1, v3  }
0x11f: {  	v5 =	vadd.s32 v1, v5  }
0x120: {  	[tilespmem:v16+s12+$0x0] =	vst.idx.add.f32.msk $0xffff, v2  }
0x121: {  	[tilespmem:v16+s13+$0x0] =	vst.idx.add.f32.msk $0xffff, v6  }
0x122: {  	[tilespmem:v9+s12+$0x0] =	vst.idx.add.f32.msk $0xffff, v2  }
0x123: {  	[tilespmem:v3+s12+$0x0] =	vst.idx.add.f32.msk $0xffff, v2  }
0x124: {  	[tilespmem:v5+s12+$0x0] =	vst.idx.add.f32.msk $0xffff, v2  }
0x125: {  	[tilespmem:v9+s13+$0x0] =	vst.idx.add.f32.msk $0xffff, v4  }
0x126: {  	[tilespmem:v3+s13+$0x0] =	vst.idx.add.f32.msk $0xffff, v7  }
0x127: {  	[tilespmem:v5+s13+$0x0] =	vst.idx.add.f32.msk $0xffff, v8  }
0x128: {  	_ =	swait.ge [sflag:s14], $0x4000  }
0x129: {  	[sflag:s14] =	ssyncset.done $0x0  }
0x12a: {  	s17 =	simm.s32 $0x4070;
	[sflag:s14] =	ssyncadd.s32 $0xFFFFC000  }
0x12b: {  	v7 =	vld [tilespmem:s17+$0x0]  }
0x12c: {  	v4 =	vld [tilespmem:s17+$0xFFFFFFA0]  }
0x12d: {  	v10 =	vld [tilespmem:s17+$0xFFFFFFB0];
	_ =	sdelay $0x1  }
0x12e: {  	v11 =	vld [tilespmem:s17+$0xFFFFFFC0]  }
0x12f: {  	v12 =	vld [tilespmem:s17+$0xFFFFFFD0]  }
0x130: {  	v18 =	vand.u32 $0x7FFFFFFF, v7  }
0x131: {  	v3 =	vand.u32 $0x7FFFFFFF, v4;
	v14 =	vshrl.u32 v4, $0x15;
	v5 =	vand.u32 $0x7FFFFFFF, v10  }
0x132: {  	v4 =	vmin.f32 v18, $1.999999880e+00;
	v6 =	vmin.f32 v3, $1.999999880e+00;
	v19 =	vmin.f32 v5, $1.999999880e+00  }
0x133: {  	v13 =	vld [tilespmem:s17+$0xFFFFFFE0];
	v14 =	vand.u32 $0x400, v14;
	v8 =	vadd.f32 $2.000000000e+00, v4;
	v17 =	vadd.f32 $2.000000000e+00, v6  }
0x134: {  	v15 =	vld [tilespmem:s17+$0xFFFFFFF0];
	v6 =	vand.u32 $0x7FFFFFFF, v11;
	v4 =	vand.u32 $0x7FFFFFFF, v12;
	v11 =	vshrl.u32 v11, $0x15  }
0x135: {  	v16 =	vld [tilespmem:s17+$0xFFFFFF90];
	v12 =	vshrl.u32 v12, $0x15;
	v22 =	vmin.f32 v6, $1.999999880e+00;
	v23 =	vmin.f32 v4, $1.999999880e+00  }
0x136: {  	v11 =	vand.u32 $0x400, v11;
	v12 =	vand.u32 $0x400, v12;
	v9 =	vshrl.u32 v8, $0xD  }
0x137: {  	v8 =	vshrl.u32 v7, $0x15;
	v26 =	vshrl.u32 v17, $0xD;
	v17 =	vadd.f32 $2.000000000e+00, v19  }
0x138: {  	v7 =	vand.u32 $0x7FFFFFFF, v13;
	v19 =	vadd.f32 $2.000000000e+00, v22;
	v22 =	vadd.f32 $2.000000000e+00, v23  }
0x139: {  	v20 =	vand.u32 $0x380, v9;
	v21 =	vand.u32 $0x400, v8;
	v8 =	vand.u32 $0x7FFFFFFF, v15  }
0x13a: {  	v20 =	vsub.s32 v20, v21;
	v21 =	vand.u32 $0x7F, v9;
	v9 =	vand.u32 $0x7FFFFFFF, v16  }
0x13b: {  	v25 =	vmin.f32 v8, $1.999999880e+00;
	v27 =	vshrl.u32 v17, $0xD;
	v19 =	vshrl.u32 v19, $0xD  }
0x13c: {  	v16 =	vshrl.u32 v16, $0x15;
	v63 =	vshrl.u32 v22, $0xD;
	v22 =	vshrl.u32 v15, $0x15  }
0x13d: {  	v15 =	vand.u32 $0x380, v26;
	v20 =	vor.u32 v21, v20;
	v21 =	vmin.f32 v9, $1.999999880e+00  }
0x13e: {  	v24 =	vadd.s32 v1, v20;
	v20 =	vadd.f32 $2.000000000e+00, v21;
	v21 =	vmin.f32 v7, $1.999999880e+00  }
0x13f: {  	v17 =	vadd.f32 $2.000000000e+00, v25;
	v23 =	vand.u32 $0x380, v27;
	v21 =	vadd.f32 $2.000000000e+00, v21  }
0x140: {  	v29 =	vand.u32 $0x380, v19;
	v30 =	vand.u32 $0x380, v63;
	v16 =	vand.u32 $0x400, v16  }
0x141: {  	v20 =	vshrl.u32 v20, $0xD;
	v28 =	vshrl.u32 v21, $0xD;
	v21 =	vshrl.u32 v10, $0x15  }
0x142: {  	v10 =	vshrl.u32 v17, $0xD;
	v17 =	vshrl.u32 v13, $0x15;
	v13 =	vand.u32 $0x380, v20  }
0x143: {  	v15 =	vsub.s32 v15, v14;
	v22 =	vand.u32 $0x400, v22;
	v13 =	vsub.s32 v13, v16  }
0x144: {  	v31 =	vand.u32 $0x380, v28;
	v32 =	vand.u32 $0x380, v10;
	v14 =	vand.u32 $0x400, v21  }
0x145: {  	v21 =	vand.u32 $0x400, v17;
	v16 =	vsub.s32 v29, v11;
	v17 =	vsub.s32 v23, v14  }
0x146: {  	v14 =	vsub.s32 v30, v12;
	v12 =	vsub.s32 v31, v21;
	v11 =	vsub.s32 v32, v22  }
0x147: {  	[tilespmem:v24+s12+$0x0] =	vst.idx.add.f32.msk $0xffff, v2;
	v23 =	vand.u32 $0x7F, v20;
	v22 =	vand.u32 $0x7F, v26;
	v20 =	vand.u32 $0x7F, v27  }
0x148: {  	s18 =	simm.s32 $0x40F0;
	s17 =	simm.s32 $0x0;
	v21 =	vand.u32 $0x7F, v19;
	v19 =	vand.u32 $0x7F, v63;
	[tilespmem:v24+s13+$0x0] =	vst.idx.add.f32.msk $0xffff, v18;
	v18 =	vand.u32 $0x7F, v28  }
.LBB2_10:
0x149: {  	v24 =	vld [tilespmem:s18+$0x0];
	v13 =	vor.u32 v23, v13;
	v15 =	vor.u32 v22, v15;
	v10 =	vand.u32 $0x7F, v10  }
0x14a: {  	s17 =	sadd.s32 $0x8, s17;
	v17 =	vor.u32 v20, v17;
	v16 =	vor.u32 v21, v16;
	v14 =	vor.u32 v19, v14;
	v22 =	vld [tilespmem:s18+$0xFFFFFFA0]  }
0x14b: {  	v12 =	vor.u32 v18, v12;
	p0 =	slt.u32 s17, $0x3F8;
	v13 =	vadd.s32 v1, v13;
	v10 =	vor.u32 v10, v11;
	v19 =	vld [tilespmem:s18+$0xFFFFFFB0]  }
0x14c: {  	v15 =	vadd.s32 v1, v15;
	v17 =	vadd.s32 v1, v17;
	v16 =	vadd.s32 v1, v16;
	v11 =	vld [tilespmem:s18+$0xFFFFFFC0]  }
0x14d: {  	v14 =	vadd.s32 v1, v14;
	v12 =	vadd.s32 v1, v12;
	v20 =	vadd.s32 v1, v10;
	v18 =	vld [tilespmem:s18+$0xFFFFFFD0]  }
0x14e: {  	v21 =	vld [tilespmem:s18+$0xFFFFFFE0];
	v23 =	vand.u32 $0x7FFFFFFF, v24  }
0x14f: {  	v10 =	vand.u32 $0x7FFFFFFF, v22;
	v22 =	vshrl.u32 v22, $0x15;
	v25 =	vld [tilespmem:s18+$0xFFFFFFF0];
	v26 =	vmin.f32 v23, $1.999999880e+00  }
0x150: {  	v27 =	vld [tilespmem:s18+$0xFFFFFF90];
	v28 =	vmin.f32 v10, $1.999999880e+00;
	v29 =	vand.u32 $0x7FFFFFFF, v19;
	v26 =	vadd.f32 $2.000000000e+00, v26  }
0x151: {  	v28 =	vadd.f32 $2.000000000e+00, v28;
	v30 =	vmin.f32 v29, $1.999999880e+00;
	v31 =	vand.u32 $0x7FFFFFFF, v11;
	[tilespmem:v13+s12+$0x0] =	vst.idx.add.f32.msk $0xffff, v2  }
0x152: {  	v24 =	vshrl.u32 v24, $0x15;
	v32 =	vand.u32 $0x7FFFFFFF, v18;
	v26 =	vshrl.u32 v26, $0xD;
	[tilespmem:v13+s13+$0x0] =	vst.idx.add.f32.msk $0xffff, v9  }
0x153: {  	v24 =	vand.u32 $0x400, v24;
	v13 =	vand.u32 $0x7FFFFFFF, v21;
	v9 =	vand.u32 $0x380, v26;
	[tilespmem:v15+s12+$0x0] =	vst.idx.add.f32.msk $0xffff, v2  }
0x154: {  	v26 =	vand.u32 $0x7F, v26;
	v33 =	vand.u32 $0x7FFFFFFF, v25;
	v24 =	vsub.s32 v9, v24;
	[tilespmem:v15+s13+$0x0] =	vst.idx.add.f32.msk $0xffff, v3;
	v3 =	vmovc v10  }
0x155: {  	v10 =	vmin.f32 v31, $1.999999880e+00;
	v9 =	vand.u32 $0x7FFFFFFF, v27;
	v15 =	vor.u32 v26, v24;
	[tilespmem:v17+s12+$0x0] =	vst.idx.add.f32.msk $0xffff, v2  }
0x156: {  	v26 =	vmin.f32 v32, $1.999999880e+00;
	v24 =	vmin.f32 v9, $1.999999880e+00;
	v15 =	vadd.s32 v1, v15;
	[tilespmem:v17+s13+$0x0] =	vst.idx.add.f32.msk $0xffff, v5;
	v5 =	vmovc v29  }
0x157: {  	v29 =	vmin.f32 v33, $1.999999880e+00;
	v17 =	vadd.f32 $2.000000000e+00, v24;
	v24 =	vmin.f32 v13, $1.999999880e+00;
	[tilespmem:v16+s12+$0x0] =	vst.idx.add.f32.msk $0xffff, v2  }
0x158: {  	v30 =	vadd.f32 $2.000000000e+00, v30;
	v28 =	vshrl.u32 v28, $0xD;
	v10 =	vadd.f32 $2.000000000e+00, v10;
	[tilespmem:v16+s13+$0x0] =	vst.idx.add.f32.msk $0xffff, v6;
	v6 =	vmovc v31  }
0x159: {  	v16 =	vadd.f32 $2.000000000e+00, v26;
	v31 =	vshrl.u32 v17, $0xD;
	v17 =	vadd.f32 $2.000000000e+00, v24;
	[tilespmem:v14+s12+$0x0] =	vst.idx.add.f32.msk $0xffff, v2  }
0x15a: {  	v26 =	vshrl.u32 v10, $0xD;
	v10 =	vadd.f32 $2.000000000e+00, v29;
	v24 =	vshrl.u32 v30, $0xD;
	[tilespmem:v14+s13+$0x0] =	vst.idx.add.f32.msk $0xffff, v4;
	v4 =	vmovc v32  }
0x15b: {  	v14 =	vshrl.u32 v27, $0x15;
	v27 =	vshrl.u32 v16, $0xD;
	v29 =	vshrl.u32 v17, $0xD;
	[tilespmem:v15+s12+$0x0] =	vst.idx.add.f32.msk $0xffff, v2  }
0x15c: {  	v11 =	vshrl.u32 v11, $0x15;
	v16 =	vshrl.u32 v19, $0x15;
	v10 =	vshrl.u32 v10, $0xD;
	[tilespmem:v15+s13+$0x0] =	vst.idx.add.f32.msk $0xffff, v23  }
0x15d: {  	v17 =	vshrl.u32 v21, $0x15;
	v15 =	vshrl.u32 v18, $0x15;
	v18 =	vshrl.u32 v25, $0x15;
	[tilespmem:v12+s12+$0x0] =	vst.idx.add.f32.msk $0xffff, v2  }
0x15e: {  	v19 =	vand.u32 $0x380, v31;
	v21 =	vand.u32 $0x380, v28;
	v23 =	vand.u32 $0x380, v24;
	[tilespmem:v12+s13+$0x0] =	vst.idx.add.f32.msk $0xffff, v7;
	v7 =	vmovc v13  }
0x15f: {  	v25 =	vand.u32 $0x380, v27;
	v30 =	vand.u32 $0x380, v29;
	v12 =	vand.u32 $0x380, v26;
	[tilespmem:v20+s12+$0x0] =	vst.idx.add.f32.msk $0xffff, v2  }
0x160: {  	v13 =	vand.u32 $0x400, v14;
	v14 =	vand.u32 $0x400, v22;
	v22 =	vand.u32 $0x380, v10;
	[tilespmem:v20+s13+$0x0] =	vst.idx.add.f32.msk $0xffff, v8;
	v8 =	vmovc v33  }
0x161: {  	v11 =	vand.u32 $0x400, v11;
	v16 =	vand.u32 $0x400, v16;
	v20 =	vand.u32 $0x400, v15  }
.Ltmp4:
0x162: {  	v18 =	vand.u32 $0x400, v18;
	v13 =	vsub.s32 v19, v13;
	v19 =	vand.u32 $0x400, v17;
	(pc) =	sbr.rel @p0 .LBB2_10-.Ltmp4, $4  }
0x163: {  	v17 =	vsub.s32 v23, v16;
	v16 =	vsub.s32 v12, v11;
	v15 =	vsub.s32 v21, v14  }
0x164: {  	v11 =	vsub.s32 v22, v18;
	v12 =	vsub.s32 v30, v19;
	v14 =	vsub.s32 v25, v20  }
0x165: {  	v23 =	vand.u32 $0x7F, v31;
	v22 =	vand.u32 $0x7F, v28;
	v20 =	vand.u32 $0x7F, v24  }
0x166: {  	s18 =	sadd.s32 $0x80, s18;
	v18 =	vand.u32 $0x7F, v29;
	v21 =	vand.u32 $0x7F, v26;
	v19 =	vand.u32 $0x7F, v27  }
0x167: {  	v13 =	vor.u32 v23, v13  }
0x168: {  	v15 =	vor.u32 v22, v15;
	v13 =	vadd.s32 v1, v13  }
0x169: {  	v17 =	vor.u32 v20, v17;
	v15 =	vadd.s32 v1, v15  }
0x16a: {  	v17 =	vadd.s32 v1, v17;
	_ =	sdelay $0x2  }
0x16b: {  	v16 =	vor.u32 v21, v16;
	[tilespmem:v13+s12+$0x0] =	vst.idx.add.f32.msk $0xffff, v2  }
0x16c: {  	v16 =	vadd.s32 v1, v16;
	[tilespmem:v15+s12+$0x0] =	vst.idx.add.f32.msk $0xffff, v2  }
0x16d: {  	v62 =	vor.u32 v19, v14;
	v10 =	vand.u32 $0x7F, v10;
	[tilespmem:v17+s12+$0x0] =	vst.idx.add.f32.msk $0xffff, v2  }
0x16e: {  	v63 =	vor.u32 v10, v11;
	[tilespmem:v13+s13+$0x0] =	vst.idx.add.f32.msk $0xffff, v9;
	v9 =	vadd.s32 v1, v62  }
0x16f: {  	[tilespmem:v17+s13+$0x0] =	vst.idx.add.f32.msk $0xffff, v5;
	v5 =	vadd.s32 v1, v63  }
0x170: {  	[tilespmem:v15+s13+$0x0] =	vst.idx.add.f32.msk $0xffff, v3;
	v3 =	vor.u32 v18, v12  }
0x171: {  	[tilespmem:v16+s12+$0x0] =	vst.idx.add.f32.msk $0xffff, v2;
	v3 =	vadd.s32 v1, v3  }
0x172: {  	[tilespmem:v16+s13+$0x0] =	vst.idx.add.f32.msk $0xffff, v6  }
0x173: {  	[tilespmem:v9+s12+$0x0] =	vst.idx.add.f32.msk $0xffff, v2  }
0x174: {  	[tilespmem:v5+s12+$0x0] =	vst.idx.add.f32.msk $0xffff, v2  }
0x175: {  	[tilespmem:v9+s13+$0x0] =	vst.idx.add.f32.msk $0xffff, v4  }
0x176: {  	[tilespmem:v3+s12+$0x0] =	vst.idx.add.f32.msk $0xffff, v2  }
0x177: {  	[tilespmem:v5+s13+$0x0] =	vst.idx.add.f32.msk $0xffff, v8  }
0x178: {  	[tilespmem:v3+s13+$0x0] =	vst.idx.add.f32.msk $0xffff, v7  }
0x179: {  	[hbm4b:s7+s2] =	stream.linear.scatter [tilespmem:s12], [sflag:$0x3], $0x8000, $0x38;
	[tilespmem:$0x18000] =	vst v63  }
0x17a: {  	s16 =	sadd.s32 $0x1, s16;
	_ =	swait.ge [sflag:s15], $0x8000  }
0x17b: {  	p0 =	sne.s32 s16, s9;
	[sflag:s15] =	ssyncset.done $0x0  }
.Ltmp5:
0x17c: {  	[sflag:s15] =	ssyncadd.s32 $0xFFFF8000;
	(pc) =	sbr.rel @p0 .LBB2_1-.Ltmp5, $4  }
0x17d: {  	[hbm4b:s8+s2] =	stream.linear.scatter [tilespmem:s13], [sflag:$0x3], $0x8000, $0x38;
	[tilespmem:$0x18000] =	vst v63  }
0x17e: {  	_ =	swait.ge [sflag:s15], $0x8000  }
0x17f: {  	[sflag:s15] =	ssyncset.done $0x0  }
0x180: {  	[sflag:s15] =	ssyncadd.s32 $0xFFFF8000  }
0x181: {  	_ =	sfence.sel $0x180000  }
0x182: {  	[bflag:$0x0] =	sbarrier.arrive $0xFFFF  }
0x183: {  	p0 =	sne.s32 s1, $0x0;
	_ =	strace $0x90000047  }
0x184: {  	s0 =	sadd.s32 @!p0 $0x100000, s0;
	[bflag:$0x2] =	sbarrier.arrive $0xFFFF  }
0x185: {  	[sflag:s0] =	ssyncadd.tile.s32 @!p0 $0x1;
	_ =	shalt  }
.Lfunc_end2:
_tile_overlayer_lowered:
.L_overlay_start_2:
0x186: {  	(tag) =	ssettag $0x2  }
0x187: {  	s0 =	rddreg [dreg:$0x0];
	s2 =	stileid.u32  }
0x188: {  	s1 =	rddreg [dreg:$0x1];
	p0 =	sne.s32 s2, $0x0  }
0x189: {  	s3 =	rddreg [dreg:$0x2];
	[bflag:$0x3] =	sbarrier.arrive $0xFFFF;
	s2 =	simm.s32 @!p0 $0x1C03  }
0x18a: {  	[timem:s3], [sflag:s2] =	dma.local @!p0 [hbm:s0], s1  }
0x18b: {  	s0 =	simm.s32 @!p0 $0x3  }
0x18c: {  	_ =	swait.ge @!p0 [sflag:s0], s1  }
0x18d: {  	s1 =	ssub.s32 @!p0 $0x0, s1;
	[sflag:s0] =	ssyncset.done @!p0 $0x0  }
0x18e: {  	[sflag:s0] =	ssyncadd.s32 @!p0 s1  }
0x18f: {  	[bflag:$0x3] =	sbarrier.arrive $0xFFFF  }
0x190: {  	_ =	shalt  }

</sc_bundles>
